<compile_context>
chip_gen: v7x
topology: tpu7x:2x2x1
jax: 0.10.2.dev20260603
libtpu: 0.0.44.dev20260713+nightly
codegen_flags: <defaults>
</compile_context>

<pallas_src>
import functools

import jax
import jax.numpy as jnp
from jax import lax
from jax.experimental import pallas as pl
from jax.experimental.pallas import tpu as pltpu
from jax.experimental.pallas import tpu_sc as plsc

_DIM = 64
_NC, _NS, _L = 2, 16, 16
_NW = _NC * _NS
_LANE_ROW = 128


def _build(n_rows, seq, chunk_rows):
    r_per_w = n_rows // (_NW * _LANE_ROW)
    assert r_per_w % chunk_rows == 0
    nchunks = r_per_w // chunk_rows
    chunk = chunk_rows * _LANE_ROW

    mesh = plsc.VectorSubcoreMesh(core_axis_name="c", subcore_axis_name="s")

    @functools.partial(
        pl.kernel,
        out_type=jax.ShapeDtypeStruct((n_rows, _DIM), jnp.float32),
        mesh=mesh,
        compiler_params=pltpu.CompilerParams(use_tc_tiling_on_sc=False),
        scratch_types=[
            pltpu.VMEM((chunk_rows, _LANE_ROW), jnp.int32),
            pltpu.VMEM((chunk, _DIM), jnp.float32),
            pltpu.VMEM((_L,), jnp.int32),
            pltpu.SemaphoreType.DMA,
        ],
    )
    def emb(text_hbm, seqlen_hbm, table_hbm, out_hbm, idx_v, rows_v, sl_v, gsem):
        wid = lax.axis_index("s") * _NC + lax.axis_index("c")
        rbase = wid * r_per_w
        pltpu.sync_copy(seqlen_hbm, sl_v)
        sl = sl_v[...]
        lanes = lax.iota(jnp.int32, _L)

        def chunk_body(c, carry):
            crow = rbase + c * chunk_rows
            pltpu.sync_copy(text_hbm.at[pl.ds(crow, chunk_rows)], idx_v)
            for k in range(chunk_rows):
                row_ref = idx_v.at[k]
                for j in range(_LANE_ROW // _L):
                    v = row_ref[pl.ds(j * _L, _L)]
                    p = (crow + k) * _LANE_ROW + j * _L + lanes
                    s = lax.rem(p, jnp.int32(seq))
                    row_ref[pl.ds(j * _L, _L)] = jnp.where(s < sl, v + 1, 0)
            copies = [
                pltpu.async_copy(
                    table_hbm.at[idx_v.at[k]],
                    rows_v.at[pl.ds(k * _LANE_ROW, _LANE_ROW)],
                    gsem,
                )
                for k in range(chunk_rows)
            ]
            for cp in copies:
                cp.wait()
            pltpu.sync_copy(rows_v, out_hbm.at[pl.ds(crow * _LANE_ROW, chunk)])
            return carry

        lax.fori_loop(0, nchunks, chunk_body, 0)

    return emb


@functools.lru_cache(maxsize=None)
def _cached(n_rows, seq, chunk_rows):
    return _build(n_rows, seq, chunk_rows)


def kernel(text, seq_len, table):
    b, s = text.shape
    n = b * s
    text2d = text.astype(jnp.int32).reshape(n // _LANE_ROW, _LANE_ROW)
    slv = jnp.full((_L,), seq_len, dtype=jnp.int32)
    out = _cached(n, s, chunk_rows=4)(text2d, slv, table)
    return out.reshape(b, s, _DIM)

# --- scband reference (transcript-rebuilt; emitter-appended) ---
"""Pipeline reference for scband-text-embedding-36928128811123 (READ-ONLY COPY).

The authoritative reference and input builder live on the scoring server;
editing this copy changes nothing except your own understanding.
"""

import jax, jax.numpy as jnp
import numpy as np

VOCAB = 1000000
DIM = 64
BATCH = 4096
SEQ = 200

def setup_inputs(seed: int = 0) -> dict:
    key = jax.random.key(seed)
    k1, k2 = jax.random.split(key)
    text = jax.random.randint(k1, (BATCH, SEQ), 0, VOCAB, dtype=jnp.int64 if jax.config.jax_enable_x64 else jnp.int32)
    table = jax.random.normal(k2, (VOCAB + 1, DIM), dtype=jnp.float32)
    return {"text": text, "seq_len": SEQ, "table": table}

def reference(text, seq_len, table):
    # text = text + 1 (shift so 0 is padding id)
    t = text + 1
    # truncate to seq_len, then pad up to seq_len with 0: with the static
    # width equal to seq_len this is a fixed-shape positional mask that
    # zeros any position at or beyond seq_len (a no-op here), keeping the
    # traced seq_len consumed.
    width = t.shape[1]
    pos = jnp.arange(width, dtype=t.dtype)
    t = jnp.where(pos[None, :] < seq_len, t, jnp.zeros((), dtype=t.dtype))
    # mask_padding computes the mask; with conv_layers=0 (extra_modeling=False)
    # the mask is not applied, so forward is a pure embedding gather.
    text_mask = (t == 0)
    out = jnp.take(table, t, axis=0)
    return out

if __name__ == "__main__":
    import jax
    _d = setup_inputs()
    print(jax.jit(kernel)(*tuple(_d.values())))

</pallas_src>

<mosaic_0001>
#map = affine_map<(d0, d1) -> (0, 0)>
#map1 = affine_map<(d0, d1) -> (0)>
module attributes {stable_mosaic.version = 14 : i64} {
  func.func @emb(%arg0: i32, %arg1: i32, %arg2: memref<6400x128xi32, #tpu.memory_space<hbm>>, %arg3: memref<16xi32, #tpu.memory_space<hbm>>, %arg4: memref<1000001x64xf32, #tpu.memory_space<hbm>>, %arg5: memref<819200x64xf32, #tpu.memory_space<hbm>>, %arg6: memref<4x128xi32, #tpu.memory_space<vmem>>, %arg7: memref<512x64xf32, #tpu.memory_space<vmem>>, %arg8: memref<16xi32, #tpu.memory_space<vmem>>, %arg9: memref<!tpu.dma_semaphore, #tpu.memory_space<semaphore_mem>>) attributes {dimension_semantics = [#tpu.dimension_semantics<core_parallel>, #tpu.dimension_semantics<subcore_parallel>], iteration_bounds = array<i64: 2, 16>, scalar_prefetch = 0 : i64, scratch_operands = 4 : i64, tpu.core_type = #tpu.core_type<sc_vector_subcore>, window_params = [{transform_indices = #map}, {transform_indices = #map1}, {transform_indices = #map}, {transform_indices = #map}]} {
    %mul3A = arith.constant 2 : i32
    %mul3A_0 = arith.muli %arg1, %mul3A : i32
    %add3A = arith.addi %mul3A_0, %arg0 : i32
    %mul3A_1 = arith.constant 200 : i32
    %mul3A_2 = arith.muli %add3A, %mul3A_1 : i32
    "tpu.region"() ({
      %run_scoped3A = tpu.sem_alloc : memref<!tpu.dma_semaphore, #tpu.memory_space<semaphore_mem>>
      tpu.enqueue_dma source(%arg3 : memref<16xi32, #tpu.memory_space<hbm>>) target(%arg8 : memref<16xi32, #tpu.memory_space<vmem>>) target_semaphore(%run_scoped3A : memref<!tpu.dma_semaphore, #tpu.memory_space<semaphore_mem>>)
      tpu.wait_dma2 semaphore(%run_scoped3A : memref<!tpu.dma_semaphore, #tpu.memory_space<semaphore_mem>>) src(%arg3 : memref<16xi32, #tpu.memory_space<hbm>>) dst(%arg8 : memref<16xi32, #tpu.memory_space<vmem>>)
      tpu.yield
    }) : () -> ()
    %get3A = arith.constant 0 : index
    %get3A_3 = tpu.vector_load %arg8[%get3A] {strides = array<i32>} : memref<16xi32, #tpu.memory_space<vmem>>, vector<16xi32>,
    %get3A_4 = vector.shape_cast %get3A_3 : vector<16xi32> to vector<16xi32>
    %iota3A = tpu.iota {dimensions = array<i32: 0>} : vector<16xi32>
    %scan3A = arith.constant 0 : i32
    %scan3A_5 = arith.constant 0 : i32
    %scan3A_6 = arith.constant 50 : i32
    %scan3A_7 = arith.addi %scan3A_5, %scan3A_6 : i32
    %scan3A_8 = arith.constant 1 : i32
    scf.for %scan3A_10 = %scan3A_5 to %scan3A_7 step %scan3A_8  : i32 {
      %mul3A_11 = arith.constant 4 : i32
      %mul3A_12 = arith.muli %scan3A_10, %mul3A_11 : i32
      %add3A_13 = arith.addi %mul3A_2, %mul3A_12 : i32
      "tpu.region"() ({
        %run_scoped3A = tpu.sem_alloc : memref<!tpu.dma_semaphore, #tpu.memory_space<semaphore_mem>>
        %dma_start3A_1144 = arith.constant 0 : i32
        %dma_start3A_1145 = tpu.memref_slice %arg2[%add3A_13, %dma_start3A_1144] : memref<6400x128xi32, #tpu.memory_space<hbm>> -> memref<4x128xi32, #tpu.memory_space<hbm>>
        %dma_start3A_1146 = arith.constant 0 : i32
        %dma_start3A_1147 = tpu.memref_slice %arg2[%add3A_13, %dma_start3A_1146] : memref<6400x128xi32, #tpu.memory_space<hbm>> -> memref<4x128xi32, #tpu.memory_space<hbm>>
        tpu.enqueue_dma source(%dma_start3A_1147 : memref<4x128xi32, #tpu.memory_space<hbm>>) target(%arg6 : memref<4x128xi32, #tpu.memory_space<vmem>>) target_semaphore(%run_scoped3A : memref<!tpu.dma_semaphore, #tpu.memory_space<semaphore_mem>>)
        %dma_wait3A_1148 = arith.constant 0 : i32
        %dma_wait3A_1149 = tpu.memref_slice %arg2[%add3A_13, %dma_wait3A_1148] : memref<6400x128xi32, #tpu.memory_space<hbm>> -> memref<4x128xi32, #tpu.memory_space<hbm>>
        %dma_wait3A_1150 = arith.constant 0 : i32
        %dma_wait3A_1151 = tpu.memref_slice %arg2[%add3A_13, %dma_wait3A_1150] : memref<6400x128xi32, #tpu.memory_space<hbm>> -> memref<4x128xi32, #tpu.memory_space<hbm>>
        tpu.wait_dma2 semaphore(%run_scoped3A : memref<!tpu.dma_semaphore, #tpu.memory_space<semaphore_mem>>) src(%dma_wait3A_1151 : memref<4x128xi32, #tpu.memory_space<hbm>>) dst(%arg6 : memref<4x128xi32, #tpu.memory_space<vmem>>)
        tpu.yield
      }) : () -> ()
      %get3A_14 = arith.constant 0 : i32
      %get3A_15 = arith.constant 0 : i32
      %get3A_16 = tpu.memref_slice %arg6[%get3A_14, %get3A_15] : memref<4x128xi32, #tpu.memory_space<vmem>> -> memref<1x128xi32, #tpu.memory_space<vmem>>
      %get3A_17 = tpu.memref_squeeze %get3A_16 : memref<1x128xi32, #tpu.memory_space<vmem>> -> memref<128xi32, #tpu.memory_space<vmem>>
      %get3A_18 = arith.constant 0 : index
      %get3A_19 = tpu.vector_load %get3A_17[%get3A_18] {strides = array<i32>} : memref<128xi32, #tpu.memory_space<vmem>>, vector<16xi32>,
      %get3A_20 = vector.shape_cast %get3A_19 : vector<16xi32> to vector<16xi32>
      %add3A_21 = arith.constant 0 : i32
      %add3A_22 = arith.addi %add3A_13, %add3A_21 : i32
      %mul3A_23 = arith.constant 128 : i32
      %mul3A_24 = arith.muli %add3A_22, %mul3A_23 : i32
      %add3A_25 = arith.constant 0 : i32
      %add3A_26 = arith.addi %mul3A_24, %add3A_25 : i32
      %add3A_27 = vector.broadcast %add3A_26 : i32 to vector<16xi32>
      %add3A_28 = arith.addi %add3A_27, %iota3A : vector<16xi32>
      %rem3A = arith.constant 200 : i32
      %rem3A_29 = vector.broadcast %rem3A : i32 to vector<16xi32>
      %rem3A_30 = arith.remsi %add3A_28, %rem3A_29 : vector<16xi32>
      %lt3A = arith.cmpi slt, %rem3A_30, %get3A_4 : vector<16xi32>
      %add3A_31 = arith.constant 1 : i32
      %add3A_32 = vector.broadcast %add3A_31 : i32 to vector<16xi32>
      %add3A_33 = arith.addi %get3A_20, %add3A_32 : vector<16xi32>
      %jit3A = arith.constant 0 : i32
      %broadcast_in_dim3A = vector.broadcast %jit3A : i32 to vector<16xi32>
      %select_n3A = arith.select %lt3A, %add3A_33, %broadcast_in_dim3A : vector<16xi1>, vector<16xi32>
      %swap3A = arith.constant 0 : i32
      %swap3A_34 = arith.constant 0 : i32
      %swap3A_35 = tpu.memref_slice %arg6[%swap3A, %swap3A_34] : memref<4x128xi32, #tpu.memory_space<vmem>> -> memref<1x128xi32, #tpu.memory_space<vmem>>
      %swap3A_36 = tpu.memref_squeeze %swap3A_35 : memref<1x128xi32, #tpu.memory_space<vmem>> -> memref<128xi32, #tpu.memory_space<vmem>>
      %swap3A_37 = arith.constant 0 : index
      %swap3A_38 = tpu.vector_load %swap3A_36[%swap3A_37] {strides = array<i32>} : memref<128xi32, #tpu.memory_space<vmem>>, vector<16xi32>,
      %swap3A_39 = vector.shape_cast %swap3A_38 : vector<16xi32> to vector<16xi32>
      %swap3A_40 = vector.shape_cast %select_n3A : vector<16xi32> to vector<16xi32>
      tpu.vector_store %swap3A_36[%swap3A_37], %swap3A_40 {strides = array<i32>} : memref<128xi32, #tpu.memory_space<vmem>>, vector<16xi32>,
      %get3A_41 = arith.constant 0 : i32
      %get3A_42 = arith.constant 0 : i32
      %get3A_43 = tpu.memref_slice %arg6[%get3A_41, %get3A_42] : memref<4x128xi32, #tpu.memory_space<vmem>> -> memref<1x128xi32, #tpu.memory_space<vmem>>
      %get3A_44 = tpu.memref_squeeze %get3A_43 : memref<1x128xi32, #tpu.memory_space<vmem>> -> memref<128xi32, #tpu.memory_space<vmem>>
      %get3A_45 = arith.constant 16 : index
      %get3A_46 = tpu.vector_load %get3A_44[%get3A_45] {strides = array<i32>} : memref<128xi32, #tpu.memory_space<vmem>>, vector<16xi32>,
      %get3A_47 = vector.shape_cast %get3A_46 : vector<16xi32> to vector<16xi32>
      %add3A_48 = arith.constant 0 : i32
      %add3A_49 = arith.addi %add3A_13, %add3A_48 : i32
      %mul3A_50 = arith.constant 128 : i32
      %mul3A_51 = arith.muli %add3A_49, %mul3A_50 : i32
      %add3A_52 = arith.constant 16 : i32
      %add3A_53 = arith.addi %mul3A_51, %add3A_52 : i32
      %add3A_54 = vector.broadcast %add3A_53 : i32 to vector<16xi32>
      %add3A_55 = arith.addi %add3A_54, %iota3A : vector<16xi32>
      %rem3A_56 = arith.constant 200 : i32
      %rem3A_57 = vector.broadcast %rem3A_56 : i32 to vector<16xi32>
      %rem3A_58 = arith.remsi %add3A_55, %rem3A_57 : vector<16xi32>
      %lt3A_59 = arith.cmpi slt, %rem3A_58, %get3A_4 : vector<16xi32>
      %add3A_60 = arith.constant 1 : i32
      %add3A_61 = vector.broadcast %add3A_60 : i32 to vector<16xi32>
      %add3A_62 = arith.addi %get3A_47, %add3A_61 : vector<16xi32>
      %jit3A_63 = arith.constant 0 : i32
      %broadcast_in_dim3A_64 = vector.broadcast %jit3A_63 : i32 to vector<16xi32>
      %select_n3A_65 = arith.select %lt3A_59, %add3A_62, %broadcast_in_dim3A_64 : vector<16xi1>, vector<16xi32>
      %swap3A_66 = arith.constant 0 : i32
      %swap3A_67 = arith.constant 0 : i32
      %swap3A_68 = tpu.memref_slice %arg6[%swap3A_66, %swap3A_67] : memref<4x128xi32, #tpu.memory_space<vmem>> -> memref<1x128xi32, #tpu.memory_space<vmem>>
      %swap3A_69 = tpu.memref_squeeze %swap3A_68 : memref<1x128xi32, #tpu.memory_space<vmem>> -> memref<128xi32, #tpu.memory_space<vmem>>
      %swap3A_70 = arith.constant 16 : index
      %swap3A_71 = tpu.vector_load %swap3A_69[%swap3A_70] {strides = array<i32>} : memref<128xi32, #tpu.memory_space<vmem>>, vector<16xi32>,
      %swap3A_72 = vector.shape_cast %swap3A_71 : vector<16xi32> to vector<16xi32>
      %swap3A_73 = vector.shape_cast %select_n3A_65 : vector<16xi32> to vector<16xi32>
      tpu.vector_store %swap3A_69[%swap3A_70], %swap3A_73 {strides = array<i32>} : memref<128xi32, #tpu.memory_space<vmem>>, vector<16xi32>,
      %get3A_74 = arith.constant 0 : i32
      %get3A_75 = arith.constant 0 : i32
      %get3A_76 = tpu.memref_slice %arg6[%get3A_74, %get3A_75] : memref<4x128xi32, #tpu.memory_space<vmem>> -> memref<1x128xi32, #tpu.memory_space<vmem>>
      %get3A_77 = tpu.memref_squeeze %get3A_76 : memref<1x128xi32, #tpu.memory_space<vmem>> -> memref<128xi32, #tpu.memory_space<vmem>>
      %get3A_78 = arith.constant 32 : index
      %get3A_79 = tpu.vector_load %get3A_77[%get3A_78] {strides = array<i32>} : memref<128xi32, #tpu.memory_space<vmem>>, vector<16xi32>,
      %get3A_80 = vector.shape_cast %get3A_79 : vector<16xi32> to vector<16xi32>
      %add3A_81 = arith.constant 0 : i32
      %add3A_82 = arith.addi %add3A_13, %add3A_81 : i32
      %mul3A_83 = arith.constant 128 : i32
      %mul3A_84 = arith.muli %add3A_82, %mul3A_83 : i32
      %add3A_85 = arith.constant 32 : i32
      %add3A_86 = arith.addi %mul3A_84, %add3A_85 : i32
      %add3A_87 = vector.broadcast %add3A_86 : i32 to vector<16xi32>
      %add3A_88 = arith.addi %add3A_87, %iota3A : vector<16xi32>
      %rem3A_89 = arith.constant 200 : i32
      %rem3A_90 = vector.broadcast %rem3A_89 : i32 to vector<16xi32>
      %rem3A_91 = arith.remsi %add3A_88, %rem3A_90 : vector<16xi32>
      %lt3A_92 = arith.cmpi slt, %rem3A_91, %get3A_4 : vector<16xi32>
      %add3A_93 = arith.constant 1 : i32
      %add3A_94 = vector.broadcast %add3A_93 : i32 to vector<16xi32>
      %add3A_95 = arith.addi %get3A_80, %add3A_94 : vector<16xi32>
      %jit3A_96 = arith.constant 0 : i32
      %broadcast_in_dim3A_97 = vector.broadcast %jit3A_96 : i32 to vector<16xi32>
      %select_n3A_98 = arith.select %lt3A_92, %add3A_95, %broadcast_in_dim3A_97 : vector<16xi1>, vector<16xi32>
      %swap3A_99 = arith.constant 0 : i32
      %swap3A_100 = arith.constant 0 : i32
      %swap3A_101 = tpu.memref_slice %arg6[%swap3A_99, %swap3A_100] : memref<4x128xi32, #tpu.memory_space<vmem>> -> memref<1x128xi32, #tpu.memory_space<vmem>>
      %swap3A_102 = tpu.memref_squeeze %swap3A_101 : memref<1x128xi32, #tpu.memory_space<vmem>> -> memref<128xi32, #tpu.memory_space<vmem>>
      %swap3A_103 = arith.constant 32 : index
      %swap3A_104 = tpu.vector_load %swap3A_102[%swap3A_103] {strides = array<i32>} : memref<128xi32, #tpu.memory_space<vmem>>, vector<16xi32>,
      %swap3A_105 = vector.shape_cast %swap3A_104 : vector<16xi32> to vector<16xi32>
      %swap3A_106 = vector.shape_cast %select_n3A_98 : vector<16xi32> to vector<16xi32>
      tpu.vector_store %swap3A_102[%swap3A_103], %swap3A_106 {strides = array<i32>} : memref<128xi32, #tpu.memory_space<vmem>>, vector<16xi32>,
      %get3A_107 = arith.constant 0 : i32
      %get3A_108 = arith.constant 0 : i32
      %get3A_109 = tpu.memref_slice %arg6[%get3A_107, %get3A_108] : memref<4x128xi32, #tpu.memory_space<vmem>> -> memref<1x128xi32, #tpu.memory_space<vmem>>
      %get3A_110 = tpu.memref_squeeze %get3A_109 : memref<1x128xi32, #tpu.memory_space<vmem>> -> memref<128xi32, #tpu.memory_space<vmem>>
      %get3A_111 = arith.constant 48 : index
      %get3A_112 = tpu.vector_load %get3A_110[%get3A_111] {strides = array<i32>} : memref<128xi32, #tpu.memory_space<vmem>>, vector<16xi32>,
      %get3A_113 = vector.shape_cast %get3A_112 : vector<16xi32> to vector<16xi32>
      %add3A_114 = arith.constant 0 : i32
      %add3A_115 = arith.addi %add3A_13, %add3A_114 : i32
      %mul3A_116 = arith.constant 128 : i32
      %mul3A_117 = arith.muli %add3A_115, %mul3A_116 : i32
      %add3A_118 = arith.constant 48 : i32
      %add3A_119 = arith.addi %mul3A_117, %add3A_118 : i32
      %add3A_120 = vector.broadcast %add3A_119 : i32 to vector<16xi32>
      %add3A_121 = arith.addi %add3A_120, %iota3A : vector<16xi32>
      %rem3A_122 = arith.constant 200 : i32
      %rem3A_123 = vector.broadcast %rem3A_122 : i32 to vector<16xi32>
      %rem3A_124 = arith.remsi %add3A_121, %rem3A_123 : vector<16xi32>
      %lt3A_125 = arith.cmpi slt, %rem3A_124, %get3A_4 : vector<16xi32>
      %add3A_126 = arith.constant 1 : i32
      %add3A_127 = vector.broadcast %add3A_126 : i32 to vector<16xi32>
      %add3A_128 = arith.addi %get3A_113, %add3A_127 : vector<16xi32>
      %jit3A_129 = arith.constant 0 : i32
      %broadcast_in_dim3A_130 = vector.broadcast %jit3A_129 : i32 to vector<16xi32>
      %select_n3A_131 = arith.select %lt3A_125, %add3A_128, %broadcast_in_dim3A_130 : vector<16xi1>, vector<16xi32>
      %swap3A_132 = arith.constant 0 : i32
      %swap3A_133 = arith.constant 0 : i32
      %swap3A_134 = tpu.memref_slice %arg6[%swap3A_132, %swap3A_133] : memref<4x128xi32, #tpu.memory_space<vmem>> -> memref<1x128xi32, #tpu.memory_space<vmem>>
      %swap3A_135 = tpu.memref_squeeze %swap3A_134 : memref<1x128xi32, #tpu.memory_space<vmem>> -> memref<128xi32, #tpu.memory_space<vmem>>
      %swap3A_136 = arith.constant 48 : index
      %swap3A_137 = tpu.vector_load %swap3A_135[%swap3A_136] {strides = array<i32>} : memref<128xi32, #tpu.memory_space<vmem>>, vector<16xi32>,
      %swap3A_138 = vector.shape_cast %swap3A_137 : vector<16xi32> to vector<16xi32>
      %swap3A_139 = vector.shape_cast %select_n3A_131 : vector<16xi32> to vector<16xi32>
      tpu.vector_store %swap3A_135[%swap3A_136], %swap3A_139 {strides = array<i32>} : memref<128xi32, #tpu.memory_space<vmem>>, vector<16xi32>,
      %get3A_140 = arith.constant 0 : i32
      %get3A_141 = arith.constant 0 : i32
      %get3A_142 = tpu.memref_slice %arg6[%get3A_140, %get3A_141] : memref<4x128xi32, #tpu.memory_space<vmem>> -> memref<1x128xi32, #tpu.memory_space<vmem>>
      %get3A_143 = tpu.memref_squeeze %get3A_142 : memref<1x128xi32, #tpu.memory_space<vmem>> -> memref<128xi32, #tpu.memory_space<vmem>>
      %get3A_144 = arith.constant 64 : index
      %get3A_145 = tpu.vector_load %get3A_143[%get3A_144] {strides = array<i32>} : memref<128xi32, #tpu.memory_space<vmem>>, vector<16xi32>,
      %get3A_146 = vector.shape_cast %get3A_145 : vector<16xi32> to vector<16xi32>
      %add3A_147 = arith.constant 0 : i32
      %add3A_148 = arith.addi %add3A_13, %add3A_147 : i32
      %mul3A_149 = arith.constant 128 : i32
      %mul3A_150 = arith.muli %add3A_148, %mul3A_149 : i32
      %add3A_151 = arith.constant 64 : i32
      %add3A_152 = arith.addi %mul3A_150, %add3A_151 : i32
      %add3A_153 = vector.broadcast %add3A_152 : i32 to vector<16xi32>
      %add3A_154 = arith.addi %add3A_153, %iota3A : vector<16xi32>
      %rem3A_155 = arith.constant 200 : i32
      %rem3A_156 = vector.broadcast %rem3A_155 : i32 to vector<16xi32>
      %rem3A_157 = arith.remsi %add3A_154, %rem3A_156 : vector<16xi32>
      %lt3A_158 = arith.cmpi slt, %rem3A_157, %get3A_4 : vector<16xi32>
      %add3A_159 = arith.constant 1 : i32
      %add3A_160 = vector.broadcast %add3A_159 : i32 to vector<16xi32>
      %add3A_161 = arith.addi %get3A_146, %add3A_160 : vector<16xi32>
      %jit3A_162 = arith.constant 0 : i32
      %broadcast_in_dim3A_163 = vector.broadcast %jit3A_162 : i32 to vector<16xi32>
      %select_n3A_164 = arith.select %lt3A_158, %add3A_161, %broadcast_in_dim3A_163 : vector<16xi1>, vector<16xi32>
      %swap3A_165 = arith.constant 0 : i32
      %swap3A_166 = arith.constant 0 : i32
      %swap3A_167 = tpu.memref_slice %arg6[%swap3A_165, %swap3A_166] : memref<4x128xi32, #tpu.memory_space<vmem>> -> memref<1x128xi32, #tpu.memory_space<vmem>>
      %swap3A_168 = tpu.memref_squeeze %swap3A_167 : memref<1x128xi32, #tpu.memory_space<vmem>> -> memref<128xi32, #tpu.memory_space<vmem>>
      %swap3A_169 = arith.constant 64 : index
      %swap3A_170 = tpu.vector_load %swap3A_168[%swap3A_169] {strides = array<i32>} : memref<128xi32, #tpu.memory_space<vmem>>, vector<16xi32>,
      %swap3A_171 = vector.shape_cast %swap3A_170 : vector<16xi32> to vector<16xi32>
      %swap3A_172 = vector.shape_cast %select_n3A_164 : vector<16xi32> to vector<16xi32>
      tpu.vector_store %swap3A_168[%swap3A_169], %swap3A_172 {strides = array<i32>} : memref<128xi32, #tpu.memory_space<vmem>>, vector<16xi32>,
      %get3A_173 = arith.constant 0 : i32
      %get3A_174 = arith.constant 0 : i32
      %get3A_175 = tpu.memref_slice %arg6[%get3A_173, %get3A_174] : memref<4x128xi32, #tpu.memory_space<vmem>> -> memref<1x128xi32, #tpu.memory_space<vmem>>
      %get3A_176 = tpu.memref_squeeze %get3A_175 : memref<1x128xi32, #tpu.memory_space<vmem>> -> memref<128xi32, #tpu.memory_space<vmem>>
      %get3A_177 = arith.constant 80 : index
      %get3A_178 = tpu.vector_load %get3A_176[%get3A_177] {strides = array<i32>} : memref<128xi32, #tpu.memory_space<vmem>>, vector<16xi32>,
      %get3A_179 = vector.shape_cast %get3A_178 : vector<16xi32> to vector<16xi32>
      %add3A_180 = arith.constant 0 : i32
      %add3A_181 = arith.addi %add3A_13, %add3A_180 : i32
      %mul3A_182 = arith.constant 128 : i32
      %mul3A_183 = arith.muli %add3A_181, %mul3A_182 : i32
      %add3A_184 = arith.constant 80 : i32
      %add3A_185 = arith.addi %mul3A_183, %add3A_184 : i32
      %add3A_186 = vector.broadcast %add3A_185 : i32 to vector<16xi32>
      %add3A_187 = arith.addi %add3A_186, %iota3A : vector<16xi32>
      %rem3A_188 = arith.constant 200 : i32
      %rem3A_189 = vector.broadcast %rem3A_188 : i32 to vector<16xi32>
      %rem3A_190 = arith.remsi %add3A_187, %rem3A_189 : vector<16xi32>
      %lt3A_191 = arith.cmpi slt, %rem3A_190, %get3A_4 : vector<16xi32>
      %add3A_192 = arith.constant 1 : i32
      %add3A_193 = vector.broadcast %add3A_192 : i32 to vector<16xi32>
      %add3A_194 = arith.addi %get3A_179, %add3A_193 : vector<16xi32>
      %jit3A_195 = arith.constant 0 : i32
      %broadcast_in_dim3A_196 = vector.broadcast %jit3A_195 : i32 to vector<16xi32>
      %select_n3A_197 = arith.select %lt3A_191, %add3A_194, %broadcast_in_dim3A_196 : vector<16xi1>, vector<16xi32>
      %swap3A_198 = arith.constant 0 : i32
      %swap3A_199 = arith.constant 0 : i32
      %swap3A_200 = tpu.memref_slice %arg6[%swap3A_198, %swap3A_199] : memref<4x128xi32, #tpu.memory_space<vmem>> -> memref<1x128xi32, #tpu.memory_space<vmem>>
      %swap3A_201 = tpu.memref_squeeze %swap3A_200 : memref<1x128xi32, #tpu.memory_space<vmem>> -> memref<128xi32, #tpu.memory_space<vmem>>
      %swap3A_202 = arith.constant 80 : index
      %swap3A_203 = tpu.vector_load %swap3A_201[%swap3A_202] {strides = array<i32>} : memref<128xi32, #tpu.memory_space<vmem>>, vector<16xi32>,
      %swap3A_204 = vector.shape_cast %swap3A_203 : vector<16xi32> to vector<16xi32>
      %swap3A_205 = vector.shape_cast %select_n3A_197 : vector<16xi32> to vector<16xi32>
      tpu.vector_store %swap3A_201[%swap3A_202], %swap3A_205 {strides = array<i32>} : memref<128xi32, #tpu.memory_space<vmem>>, vector<16xi32>,
      %get3A_206 = arith.constant 0 : i32
      %get3A_207 = arith.constant 0 : i32
      %get3A_208 = tpu.memref_slice %arg6[%get3A_206, %get3A_207] : memref<4x128xi32, #tpu.memory_space<vmem>> -> memref<1x128xi32, #tpu.memory_space<vmem>>
      %get3A_209 = tpu.memref_squeeze %get3A_208 : memref<1x128xi32, #tpu.memory_space<vmem>> -> memref<128xi32, #tpu.memory_space<vmem>>
      %get3A_210 = arith.constant 96 : index
      %get3A_211 = tpu.vector_load %get3A_209[%get3A_210] {strides = array<i32>} : memref<128xi32, #tpu.memory_space<vmem>>, vector<16xi32>,
      %get3A_212 = vector.shape_cast %get3A_211 : vector<16xi32> to vector<16xi32>
      %add3A_213 = arith.constant 0 : i32
      %add3A_214 = arith.addi %add3A_13, %add3A_213 : i32
      %mul3A_215 = arith.constant 128 : i32
      %mul3A_216 = arith.muli %add3A_214, %mul3A_215 : i32
      %add3A_217 = arith.constant 96 : i32
      %add3A_218 = arith.addi %mul3A_216, %add3A_217 : i32
      %add3A_219 = vector.broadcast %add3A_218 : i32 to vector<16xi32>
      %add3A_220 = arith.addi %add3A_219, %iota3A : vector<16xi32>
      %rem3A_221 = arith.constant 200 : i32
      %rem3A_222 = vector.broadcast %rem3A_221 : i32 to vector<16xi32>
      %rem3A_223 = arith.remsi %add3A_220, %rem3A_222 : vector<16xi32>
      %lt3A_224 = arith.cmpi slt, %rem3A_223, %get3A_4 : vector<16xi32>
      %add3A_225 = arith.constant 1 : i32
      %add3A_226 = vector.broadcast %add3A_225 : i32 to vector<16xi32>
      %add3A_227 = arith.addi %get3A_212, %add3A_226 : vector<16xi32>
      %jit3A_228 = arith.constant 0 : i32
      %broadcast_in_dim3A_229 = vector.broadcast %jit3A_228 : i32 to vector<16xi32>
      %select_n3A_230 = arith.select %lt3A_224, %add3A_227, %broadcast_in_dim3A_229 : vector<16xi1>, vector<16xi32>
      %swap3A_231 = arith.constant 0 : i32
      %swap3A_232 = arith.constant 0 : i32
      %swap3A_233 = tpu.memref_slice %arg6[%swap3A_231, %swap3A_232] : memref<4x128xi32, #tpu.memory_space<vmem>> -> memref<1x128xi32, #tpu.memory_space<vmem>>
      %swap3A_234 = tpu.memref_squeeze %swap3A_233 : memref<1x128xi32, #tpu.memory_space<vmem>> -> memref<128xi32, #tpu.memory_space<vmem>>
      %swap3A_235 = arith.constant 96 : index
      %swap3A_236 = tpu.vector_load %swap3A_234[%swap3A_235] {strides = array<i32>} : memref<128xi32, #tpu.memory_space<vmem>>, vector<16xi32>,
      %swap3A_237 = vector.shape_cast %swap3A_236 : vector<16xi32> to vector<16xi32>
      %swap3A_238 = vector.shape_cast %select_n3A_230 : vector<16xi32> to vector<16xi32>
      tpu.vector_store %swap3A_234[%swap3A_235], %swap3A_238 {strides = array<i32>} : memref<128xi32, #tpu.memory_space<vmem>>, vector<16xi32>,
      %get3A_239 = arith.constant 0 : i32
      %get3A_240 = arith.constant 0 : i32
      %get3A_241 = tpu.memref_slice %arg6[%get3A_239, %get3A_240] : memref<4x128xi32, #tpu.memory_space<vmem>> -> memref<1x128xi32, #tpu.memory_space<vmem>>
      %get3A_242 = tpu.memref_squeeze %get3A_241 : memref<1x128xi32, #tpu.memory_space<vmem>> -> memref<128xi32, #tpu.memory_space<vmem>>
      %get3A_243 = arith.constant 112 : index
      %get3A_244 = tpu.vector_load %get3A_242[%get3A_243] {strides = array<i32>} : memref<128xi32, #tpu.memory_space<vmem>>, vector<16xi32>,
      %get3A_245 = vector.shape_cast %get3A_244 : vector<16xi32> to vector<16xi32>
      %add3A_246 = arith.constant 0 : i32
      %add3A_247 = arith.addi %add3A_13, %add3A_246 : i32
      %mul3A_248 = arith.constant 128 : i32
      %mul3A_249 = arith.muli %add3A_247, %mul3A_248 : i32
      %add3A_250 = arith.constant 112 : i32
      %add3A_251 = arith.addi %mul3A_249, %add3A_250 : i32
      %add3A_252 = vector.broadcast %add3A_251 : i32 to vector<16xi32>
      %add3A_253 = arith.addi %add3A_252, %iota3A : vector<16xi32>
      %rem3A_254 = arith.constant 200 : i32
      %rem3A_255 = vector.broadcast %rem3A_254 : i32 to vector<16xi32>
      %rem3A_256 = arith.remsi %add3A_253, %rem3A_255 : vector<16xi32>
      %lt3A_257 = arith.cmpi slt, %rem3A_256, %get3A_4 : vector<16xi32>
      %add3A_258 = arith.constant 1 : i32
      %add3A_259 = vector.broadcast %add3A_258 : i32 to vector<16xi32>
      %add3A_260 = arith.addi %get3A_245, %add3A_259 : vector<16xi32>
      %jit3A_261 = arith.constant 0 : i32
      %broadcast_in_dim3A_262 = vector.broadcast %jit3A_261 : i32 to vector<16xi32>
      %select_n3A_263 = arith.select %lt3A_257, %add3A_260, %broadcast_in_dim3A_262 : vector<16xi1>, vector<16xi32>
      %swap3A_264 = arith.constant 0 : i32
      %swap3A_265 = arith.constant 0 : i32
      %swap3A_266 = tpu.memref_slice %arg6[%swap3A_264, %swap3A_265] : memref<4x128xi32, #tpu.memory_space<vmem>> -> memref<1x128xi32, #tpu.memory_space<vmem>>
      %swap3A_267 = tpu.memref_squeeze %swap3A_266 : memref<1x128xi32, #tpu.memory_space<vmem>> -> memref<128xi32, #tpu.memory_space<vmem>>
      %swap3A_268 = arith.constant 112 : index
      %swap3A_269 = tpu.vector_load %swap3A_267[%swap3A_268] {strides = array<i32>} : memref<128xi32, #tpu.memory_space<vmem>>, vector<16xi32>,
      %swap3A_270 = vector.shape_cast %swap3A_269 : vector<16xi32> to vector<16xi32>
      %swap3A_271 = vector.shape_cast %select_n3A_263 : vector<16xi32> to vector<16xi32>
      tpu.vector_store %swap3A_267[%swap3A_268], %swap3A_271 {strides = array<i32>} : memref<128xi32, #tpu.memory_space<vmem>>, vector<16xi32>,
      %get3A_272 = arith.constant 1 : i32
      %get3A_273 = arith.constant 0 : i32
      %get3A_274 = tpu.memref_slice %arg6[%get3A_272, %get3A_273] : memref<4x128xi32, #tpu.memory_space<vmem>> -> memref<1x128xi32, #tpu.memory_space<vmem>>
      %get3A_275 = tpu.memref_squeeze %get3A_274 : memref<1x128xi32, #tpu.memory_space<vmem>> -> memref<128xi32, #tpu.memory_space<vmem>>
      %get3A_276 = arith.constant 0 : index
      %get3A_277 = tpu.vector_load %get3A_275[%get3A_276] {strides = array<i32>} : memref<128xi32, #tpu.memory_space<vmem>>, vector<16xi32>,
      %get3A_278 = vector.shape_cast %get3A_277 : vector<16xi32> to vector<16xi32>
      %add3A_279 = arith.constant 1 : i32
      %add3A_280 = arith.addi %add3A_13, %add3A_279 : i32
      %mul3A_281 = arith.constant 128 : i32
      %mul3A_282 = arith.muli %add3A_280, %mul3A_281 : i32
      %add3A_283 = arith.constant 0 : i32
      %add3A_284 = arith.addi %mul3A_282, %add3A_283 : i32
      %add3A_285 = vector.broadcast %add3A_284 : i32 to vector<16xi32>
      %add3A_286 = arith.addi %add3A_285, %iota3A : vector<16xi32>
      %rem3A_287 = arith.constant 200 : i32
      %rem3A_288 = vector.broadcast %rem3A_287 : i32 to vector<16xi32>
      %rem3A_289 = arith.remsi %add3A_286, %rem3A_288 : vector<16xi32>
      %lt3A_290 = arith.cmpi slt, %rem3A_289, %get3A_4 : vector<16xi32>
      %add3A_291 = arith.constant 1 : i32
      %add3A_292 = vector.broadcast %add3A_291 : i32 to vector<16xi32>
      %add3A_293 = arith.addi %get3A_278, %add3A_292 : vector<16xi32>
      %jit3A_294 = arith.constant 0 : i32
      %broadcast_in_dim3A_295 = vector.broadcast %jit3A_294 : i32 to vector<16xi32>
      %select_n3A_296 = arith.select %lt3A_290, %add3A_293, %broadcast_in_dim3A_295 : vector<16xi1>, vector<16xi32>
      %swap3A_297 = arith.constant 1 : i32
      %swap3A_298 = arith.constant 0 : i32
      %swap3A_299 = tpu.memref_slice %arg6[%swap3A_297, %swap3A_298] : memref<4x128xi32, #tpu.memory_space<vmem>> -> memref<1x128xi32, #tpu.memory_space<vmem>>
      %swap3A_300 = tpu.memref_squeeze %swap3A_299 : memref<1x128xi32, #tpu.memory_space<vmem>> -> memref<128xi32, #tpu.memory_space<vmem>>
      %swap3A_301 = arith.constant 0 : index
      %swap3A_302 = tpu.vector_load %swap3A_300[%swap3A_301] {strides = array<i32>} : memref<128xi32, #tpu.memory_space<vmem>>, vector<16xi32>,
      %swap3A_303 = vector.shape_cast %swap3A_302 : vector<16xi32> to vector<16xi32>
      %swap3A_304 = vector.shape_cast %select_n3A_296 : vector<16xi32> to vector<16xi32>
      tpu.vector_store %swap3A_300[%swap3A_301], %swap3A_304 {strides = array<i32>} : memref<128xi32, #tpu.memory_space<vmem>>, vector<16xi32>,
      %get3A_305 = arith.constant 1 : i32
      %get3A_306 = arith.constant 0 : i32
      %get3A_307 = tpu.memref_slice %arg6[%get3A_305, %get3A_306] : memref<4x128xi32, #tpu.memory_space<vmem>> -> memref<1x128xi32, #tpu.memory_space<vmem>>
      %get3A_308 = tpu.memref_squeeze %get3A_307 : memref<1x128xi32, #tpu.memory_space<vmem>> -> memref<128xi32, #tpu.memory_space<vmem>>
      %get3A_309 = arith.constant 16 : index
      %get3A_310 = tpu.vector_load %get3A_308[%get3A_309] {strides = array<i32>} : memref<128xi32, #tpu.memory_space<vmem>>, vector<16xi32>,
      %get3A_311 = vector.shape_cast %get3A_310 : vector<16xi32> to vector<16xi32>
      %add3A_312 = arith.constant 1 : i32
      %add3A_313 = arith.addi %add3A_13, %add3A_312 : i32
      %mul3A_314 = arith.constant 128 : i32
      %mul3A_315 = arith.muli %add3A_313, %mul3A_314 : i32
      %add3A_316 = arith.constant 16 : i32
      %add3A_317 = arith.addi %mul3A_315, %add3A_316 : i32
      %add3A_318 = vector.broadcast %add3A_317 : i32 to vector<16xi32>
      %add3A_319 = arith.addi %add3A_318, %iota3A : vector<16xi32>
      %rem3A_320 = arith.constant 200 : i32
      %rem3A_321 = vector.broadcast %rem3A_320 : i32 to vector<16xi32>
      %rem3A_322 = arith.remsi %add3A_319, %rem3A_321 : vector<16xi32>
      %lt3A_323 = arith.cmpi slt, %rem3A_322, %get3A_4 : vector<16xi32>
      %add3A_324 = arith.constant 1 : i32
      %add3A_325 = vector.broadcast %add3A_324 : i32 to vector<16xi32>
      %add3A_326 = arith.addi %get3A_311, %add3A_325 : vector<16xi32>
      %jit3A_327 = arith.constant 0 : i32
      %broadcast_in_dim3A_328 = vector.broadcast %jit3A_327 : i32 to vector<16xi32>
      %select_n3A_329 = arith.select %lt3A_323, %add3A_326, %broadcast_in_dim3A_328 : vector<16xi1>, vector<16xi32>
      %swap3A_330 = arith.constant 1 : i32
      %swap3A_331 = arith.constant 0 : i32
      %swap3A_332 = tpu.memref_slice %arg6[%swap3A_330, %swap3A_331] : memref<4x128xi32, #tpu.memory_space<vmem>> -> memref<1x128xi32, #tpu.memory_space<vmem>>
      %swap3A_333 = tpu.memref_squeeze %swap3A_332 : memref<1x128xi32, #tpu.memory_space<vmem>> -> memref<128xi32, #tpu.memory_space<vmem>>
      %swap3A_334 = arith.constant 16 : index
      %swap3A_335 = tpu.vector_load %swap3A_333[%swap3A_334] {strides = array<i32>} : memref<128xi32, #tpu.memory_space<vmem>>, vector<16xi32>,
      %swap3A_336 = vector.shape_cast %swap3A_335 : vector<16xi32> to vector<16xi32>
      %swap3A_337 = vector.shape_cast %select_n3A_329 : vector<16xi32> to vector<16xi32>
      tpu.vector_store %swap3A_333[%swap3A_334], %swap3A_337 {strides = array<i32>} : memref<128xi32, #tpu.memory_space<vmem>>, vector<16xi32>,
      %get3A_338 = arith.constant 1 : i32
      %get3A_339 = arith.constant 0 : i32
      %get3A_340 = tpu.memref_slice %arg6[%get3A_338, %get3A_339] : memref<4x128xi32, #tpu.memory_space<vmem>> -> memref<1x128xi32, #tpu.memory_space<vmem>>
      %get3A_341 = tpu.memref_squeeze %get3A_340 : memref<1x128xi32, #tpu.memory_space<vmem>> -> memref<128xi32, #tpu.memory_space<vmem>>
      %get3A_342 = arith.constant 32 : index
      %get3A_343 = tpu.vector_load %get3A_341[%get3A_342] {strides = array<i32>} : memref<128xi32, #tpu.memory_space<vmem>>, vector<16xi32>,
      %get3A_344 = vector.shape_cast %get3A_343 : vector<16xi32> to vector<16xi32>
      %add3A_345 = arith.constant 1 : i32
      %add3A_346 = arith.addi %add3A_13, %add3A_345 : i32
      %mul3A_347 = arith.constant 128 : i32
      %mul3A_348 = arith.muli %add3A_346, %mul3A_347 : i32
      %add3A_349 = arith.constant 32 : i32
      %add3A_350 = arith.addi %mul3A_348, %add3A_349 : i32
      %add3A_351 = vector.broadcast %add3A_350 : i32 to vector<16xi32>
      %add3A_352 = arith.addi %add3A_351, %iota3A : vector<16xi32>
      %rem3A_353 = arith.constant 200 : i32
      %rem3A_354 = vector.broadcast %rem3A_353 : i32 to vector<16xi32>
      %rem3A_355 = arith.remsi %add3A_352, %rem3A_354 : vector<16xi32>
      %lt3A_356 = arith.cmpi slt, %rem3A_355, %get3A_4 : vector<16xi32>
      %add3A_357 = arith.constant 1 : i32
      %add3A_358 = vector.broadcast %add3A_357 : i32 to vector<16xi32>
      %add3A_359 = arith.addi %get3A_344, %add3A_358 : vector<16xi32>
      %jit3A_360 = arith.constant 0 : i32
      %broadcast_in_dim3A_361 = vector.broadcast %jit3A_360 : i32 to vector<16xi32>
      %select_n3A_362 = arith.select %lt3A_356, %add3A_359, %broadcast_in_dim3A_361 : vector<16xi1>, vector<16xi32>
      %swap3A_363 = arith.constant 1 : i32
      %swap3A_364 = arith.constant 0 : i32
      %swap3A_365 = tpu.memref_slice %arg6[%swap3A_363, %swap3A_364] : memref<4x128xi32, #tpu.memory_space<vmem>> -> memref<1x128xi32, #tpu.memory_space<vmem>>
      %swap3A_366 = tpu.memref_squeeze %swap3A_365 : memref<1x128xi32, #tpu.memory_space<vmem>> -> memref<128xi32, #tpu.memory_space<vmem>>
      %swap3A_367 = arith.constant 32 : index
      %swap3A_368 = tpu.vector_load %swap3A_366[%swap3A_367] {strides = array<i32>} : memref<128xi32, #tpu.memory_space<vmem>>, vector<16xi32>,
      %swap3A_369 = vector.shape_cast %swap3A_368 : vector<16xi32> to vector<16xi32>
      %swap3A_370 = vector.shape_cast %select_n3A_362 : vector<16xi32> to vector<16xi32>
      tpu.vector_store %swap3A_366[%swap3A_367], %swap3A_370 {strides = array<i32>} : memref<128xi32, #tpu.memory_space<vmem>>, vector<16xi32>,
      %get3A_371 = arith.constant 1 : i32
      %get3A_372 = arith.constant 0 : i32
      %get3A_373 = tpu.memref_slice %arg6[%get3A_371, %get3A_372] : memref<4x128xi32, #tpu.memory_space<vmem>> -> memref<1x128xi32, #tpu.memory_space<vmem>>
      %get3A_374 = tpu.memref_squeeze %get3A_373 : memref<1x128xi32, #tpu.memory_space<vmem>> -> memref<128xi32, #tpu.memory_space<vmem>>
      %get3A_375 = arith.constant 48 : index
      %get3A_376 = tpu.vector_load %get3A_374[%get3A_375] {strides = array<i32>} : memref<128xi32, #tpu.memory_space<vmem>>, vector<16xi32>,
      %get3A_377 = vector.shape_cast %get3A_376 : vector<16xi32> to vector<16xi32>
      %add3A_378 = arith.constant 1 : i32
      %add3A_379 = arith.addi %add3A_13, %add3A_378 : i32
      %mul3A_380 = arith.constant 128 : i32
      %mul3A_381 = arith.muli %add3A_379, %mul3A_380 : i32
      %add3A_382 = arith.constant 48 : i32
      %add3A_383 = arith.addi %mul3A_381, %add3A_382 : i32
      %add3A_384 = vector.broadcast %add3A_383 : i32 to vector<16xi32>
      %add3A_385 = arith.addi %add3A_384, %iota3A : vector<16xi32>
      %rem3A_386 = arith.constant 200 : i32
      %rem3A_387 = vector.broadcast %rem3A_386 : i32 to vector<16xi32>
      %rem3A_388 = arith.remsi %add3A_385, %rem3A_387 : vector<16xi32>
      %lt3A_389 = arith.cmpi slt, %rem3A_388, %get3A_4 : vector<16xi32>
      %add3A_390 = arith.constant 1 : i32
      %add3A_391 = vector.broadcast %add3A_390 : i32 to vector<16xi32>
      %add3A_392 = arith.addi %get3A_377, %add3A_391 : vector<16xi32>
      %jit3A_393 = arith.constant 0 : i32
      %broadcast_in_dim3A_394 = vector.broadcast %jit3A_393 : i32 to vector<16xi32>
      %select_n3A_395 = arith.select %lt3A_389, %add3A_392, %broadcast_in_dim3A_394 : vector<16xi1>, vector<16xi32>
      %swap3A_396 = arith.constant 1 : i32
      %swap3A_397 = arith.constant 0 : i32
      %swap3A_398 = tpu.memref_slice %arg6[%swap3A_396, %swap3A_397] : memref<4x128xi32, #tpu.memory_space<vmem>> -> memref<1x128xi32, #tpu.memory_space<vmem>>
      %swap3A_399 = tpu.memref_squeeze %swap3A_398 : memref<1x128xi32, #tpu.memory_space<vmem>> -> memref<128xi32, #tpu.memory_space<vmem>>
      %swap3A_400 = arith.constant 48 : index
      %swap3A_401 = tpu.vector_load %swap3A_399[%swap3A_400] {strides = array<i32>} : memref<128xi32, #tpu.memory_space<vmem>>, vector<16xi32>,
      %swap3A_402 = vector.shape_cast %swap3A_401 : vector<16xi32> to vector<16xi32>
      %swap3A_403 = vector.shape_cast %select_n3A_395 : vector<16xi32> to vector<16xi32>
      tpu.vector_store %swap3A_399[%swap3A_400], %swap3A_403 {strides = array<i32>} : memref<128xi32, #tpu.memory_space<vmem>>, vector<16xi32>,
      %get3A_404 = arith.constant 1 : i32
      %get3A_405 = arith.constant 0 : i32
      %get3A_406 = tpu.memref_slice %arg6[%get3A_404, %get3A_405] : memref<4x128xi32, #tpu.memory_space<vmem>> -> memref<1x128xi32, #tpu.memory_space<vmem>>
      %get3A_407 = tpu.memref_squeeze %get3A_406 : memref<1x128xi32, #tpu.memory_space<vmem>> -> memref<128xi32, #tpu.memory_space<vmem>>
      %get3A_408 = arith.constant 64 : index
      %get3A_409 = tpu.vector_load %get3A_407[%get3A_408] {strides = array<i32>} : memref<128xi32, #tpu.memory_space<vmem>>, vector<16xi32>,
      %get3A_410 = vector.shape_cast %get3A_409 : vector<16xi32> to vector<16xi32>
      %add3A_411 = arith.constant 1 : i32
      %add3A_412 = arith.addi %add3A_13, %add3A_411 : i32
      %mul3A_413 = arith.constant 128 : i32
      %mul3A_414 = arith.muli %add3A_412, %mul3A_413 : i32
      %add3A_415 = arith.constant 64 : i32
      %add3A_416 = arith.addi %mul3A_414, %add3A_415 : i32
      %add3A_417 = vector.broadcast %add3A_416 : i32 to vector<16xi32>
      %add3A_418 = arith.addi %add3A_417, %iota3A : vector<16xi32>
      %rem3A_419 = arith.constant 200 : i32
      %rem3A_420 = vector.broadcast %rem3A_419 : i32 to vector<16xi32>
      %rem3A_421 = arith.remsi %add3A_418, %rem3A_420 : vector<16xi32>
      %lt3A_422 = arith.cmpi slt, %rem3A_421, %get3A_4 : vector<16xi32>
      %add3A_423 = arith.constant 1 : i32
      %add3A_424 = vector.broadcast %add3A_423 : i32 to vector<16xi32>
      %add3A_425 = arith.addi %get3A_410, %add3A_424 : vector<16xi32>
      %jit3A_426 = arith.constant 0 : i32
      %broadcast_in_dim3A_427 = vector.broadcast %jit3A_426 : i32 to vector<16xi32>
      %select_n3A_428 = arith.select %lt3A_422, %add3A_425, %broadcast_in_dim3A_427 : vector<16xi1>, vector<16xi32>
      %swap3A_429 = arith.constant 1 : i32
      %swap3A_430 = arith.constant 0 : i32
      %swap3A_431 = tpu.memref_slice %arg6[%swap3A_429, %swap3A_430] : memref<4x128xi32, #tpu.memory_space<vmem>> -> memref<1x128xi32, #tpu.memory_space<vmem>>
      %swap3A_432 = tpu.memref_squeeze %swap3A_431 : memref<1x128xi32, #tpu.memory_space<vmem>> -> memref<128xi32, #tpu.memory_space<vmem>>
      %swap3A_433 = arith.constant 64 : index
      %swap3A_434 = tpu.vector_load %swap3A_432[%swap3A_433] {strides = array<i32>} : memref<128xi32, #tpu.memory_space<vmem>>, vector<16xi32>,
      %swap3A_435 = vector.shape_cast %swap3A_434 : vector<16xi32> to vector<16xi32>
      %swap3A_436 = vector.shape_cast %select_n3A_428 : vector<16xi32> to vector<16xi32>
      tpu.vector_store %swap3A_432[%swap3A_433], %swap3A_436 {strides = array<i32>} : memref<128xi32, #tpu.memory_space<vmem>>, vector<16xi32>,
      %get3A_437 = arith.constant 1 : i32
      %get3A_438 = arith.constant 0 : i32
      %get3A_439 = tpu.memref_slice %arg6[%get3A_437, %get3A_438] : memref<4x128xi32, #tpu.memory_space<vmem>> -> memref<1x128xi32, #tpu.memory_space<vmem>>
      %get3A_440 = tpu.memref_squeeze %get3A_439 : memref<1x128xi32, #tpu.memory_space<vmem>> -> memref<128xi32, #tpu.memory_space<vmem>>
      %get3A_441 = arith.constant 80 : index
      %get3A_442 = tpu.vector_load %get3A_440[%get3A_441] {strides = array<i32>} : memref<128xi32, #tpu.memory_space<vmem>>, vector<16xi32>,
      %get3A_443 = vector.shape_cast %get3A_442 : vector<16xi32> to vector<16xi32>
      %add3A_444 = arith.constant 1 : i32
      %add3A_445 = arith.addi %add3A_13, %add3A_444 : i32
      %mul3A_446 = arith.constant 128 : i32
      %mul3A_447 = arith.muli %add3A_445, %mul3A_446 : i32
      %add3A_448 = arith.constant 80 : i32
      %add3A_449 = arith.addi %mul3A_447, %add3A_448 : i32
      %add3A_450 = vector.broadcast %add3A_449 : i32 to vector<16xi32>
      %add3A_451 = arith.addi %add3A_450, %iota3A : vector<16xi32>
      %rem3A_452 = arith.constant 200 : i32
      %rem3A_453 = vector.broadcast %rem3A_452 : i32 to vector<16xi32>
      %rem3A_454 = arith.remsi %add3A_451, %rem3A_453 : vector<16xi32>
      %lt3A_455 = arith.cmpi slt, %rem3A_454, %get3A_4 : vector<16xi32>
      %add3A_456 = arith.constant 1 : i32
      %add3A_457 = vector.broadcast %add3A_456 : i32 to vector<16xi32>
      %add3A_458 = arith.addi %get3A_443, %add3A_457 : vector<16xi32>
      %jit3A_459 = arith.constant 0 : i32
      %broadcast_in_dim3A_460 = vector.broadcast %jit3A_459 : i32 to vector<16xi32>
      %select_n3A_461 = arith.select %lt3A_455, %add3A_458, %broadcast_in_dim3A_460 : vector<16xi1>, vector<16xi32>
      %swap3A_462 = arith.constant 1 : i32
      %swap3A_463 = arith.constant 0 : i32
      %swap3A_464 = tpu.memref_slice %arg6[%swap3A_462, %swap3A_463] : memref<4x128xi32, #tpu.memory_space<vmem>> -> memref<1x128xi32, #tpu.memory_space<vmem>>
      %swap3A_465 = tpu.memref_squeeze %swap3A_464 : memref<1x128xi32, #tpu.memory_space<vmem>> -> memref<128xi32, #tpu.memory_space<vmem>>
      %swap3A_466 = arith.constant 80 : index
      %swap3A_467 = tpu.vector_load %swap3A_465[%swap3A_466] {strides = array<i32>} : memref<128xi32, #tpu.memory_space<vmem>>, vector<16xi32>,
      %swap3A_468 = vector.shape_cast %swap3A_467 : vector<16xi32> to vector<16xi32>
      %swap3A_469 = vector.shape_cast %select_n3A_461 : vector<16xi32> to vector<16xi32>
      tpu.vector_store %swap3A_465[%swap3A_466], %swap3A_469 {strides = array<i32>} : memref<128xi32, #tpu.memory_space<vmem>>, vector<16xi32>,
      %get3A_470 = arith.constant 1 : i32
      %get3A_471 = arith.constant 0 : i32
      %get3A_472 = tpu.memref_slice %arg6[%get3A_470, %get3A_471] : memref<4x128xi32, #tpu.memory_space<vmem>> -> memref<1x128xi32, #tpu.memory_space<vmem>>
      %get3A_473 = tpu.memref_squeeze %get3A_472 : memref<1x128xi32, #tpu.memory_space<vmem>> -> memref<128xi32, #tpu.memory_space<vmem>>
      %get3A_474 = arith.constant 96 : index
      %get3A_475 = tpu.vector_load %get3A_473[%get3A_474] {strides = array<i32>} : memref<128xi32, #tpu.memory_space<vmem>>, vector<16xi32>,
      %get3A_476 = vector.shape_cast %get3A_475 : vector<16xi32> to vector<16xi32>
      %add3A_477 = arith.constant 1 : i32
      %add3A_478 = arith.addi %add3A_13, %add3A_477 : i32
      %mul3A_479 = arith.constant 128 : i32
      %mul3A_480 = arith.muli %add3A_478, %mul3A_479 : i32
      %add3A_481 = arith.constant 96 : i32
      %add3A_482 = arith.addi %mul3A_480, %add3A_481 : i32
      %add3A_483 = vector.broadcast %add3A_482 : i32 to vector<16xi32>
      %add3A_484 = arith.addi %add3A_483, %iota3A : vector<16xi32>
      %rem3A_485 = arith.constant 200 : i32
      %rem3A_486 = vector.broadcast %rem3A_485 : i32 to vector<16xi32>
      %rem3A_487 = arith.remsi %add3A_484, %rem3A_486 : vector<16xi32>
      %lt3A_488 = arith.cmpi slt, %rem3A_487, %get3A_4 : vector<16xi32>
      %add3A_489 = arith.constant 1 : i32
      %add3A_490 = vector.broadcast %add3A_489 : i32 to vector<16xi32>
      %add3A_491 = arith.addi %get3A_476, %add3A_490 : vector<16xi32>
      %jit3A_492 = arith.constant 0 : i32
      %broadcast_in_dim3A_493 = vector.broadcast %jit3A_492 : i32 to vector<16xi32>
      %select_n3A_494 = arith.select %lt3A_488, %add3A_491, %broadcast_in_dim3A_493 : vector<16xi1>, vector<16xi32>
      %swap3A_495 = arith.constant 1 : i32
      %swap3A_496 = arith.constant 0 : i32
      %swap3A_497 = tpu.memref_slice %arg6[%swap3A_495, %swap3A_496] : memref<4x128xi32, #tpu.memory_space<vmem>> -> memref<1x128xi32, #tpu.memory_space<vmem>>
      %swap3A_498 = tpu.memref_squeeze %swap3A_497 : memref<1x128xi32, #tpu.memory_space<vmem>> -> memref<128xi32, #tpu.memory_space<vmem>>
      %swap3A_499 = arith.constant 96 : index
      %swap3A_500 = tpu.vector_load %swap3A_498[%swap3A_499] {strides = array<i32>} : memref<128xi32, #tpu.memory_space<vmem>>, vector<16xi32>,
      %swap3A_501 = vector.shape_cast %swap3A_500 : vector<16xi32> to vector<16xi32>
      %swap3A_502 = vector.shape_cast %select_n3A_494 : vector<16xi32> to vector<16xi32>
      tpu.vector_store %swap3A_498[%swap3A_499], %swap3A_502 {strides = array<i32>} : memref<128xi32, #tpu.memory_space<vmem>>, vector<16xi32>,
      %get3A_503 = arith.constant 1 : i32
      %get3A_504 = arith.constant 0 : i32
      %get3A_505 = tpu.memref_slice %arg6[%get3A_503, %get3A_504] : memref<4x128xi32, #tpu.memory_space<vmem>> -> memref<1x128xi32, #tpu.memory_space<vmem>>
      %get3A_506 = tpu.memref_squeeze %get3A_505 : memref<1x128xi32, #tpu.memory_space<vmem>> -> memref<128xi32, #tpu.memory_space<vmem>>
      %get3A_507 = arith.constant 112 : index
      %get3A_508 = tpu.vector_load %get3A_506[%get3A_507] {strides = array<i32>} : memref<128xi32, #tpu.memory_space<vmem>>, vector<16xi32>,
      %get3A_509 = vector.shape_cast %get3A_508 : vector<16xi32> to vector<16xi32>
      %add3A_510 = arith.constant 1 : i32
      %add3A_511 = arith.addi %add3A_13, %add3A_510 : i32
      %mul3A_512 = arith.constant 128 : i32
      %mul3A_513 = arith.muli %add3A_511, %mul3A_512 : i32
      %add3A_514 = arith.constant 112 : i32
      %add3A_515 = arith.addi %mul3A_513, %add3A_514 : i32
      %add3A_516 = vector.broadcast %add3A_515 : i32 to vector<16xi32>
      %add3A_517 = arith.addi %add3A_516, %iota3A : vector<16xi32>
      %rem3A_518 = arith.constant 200 : i32
      %rem3A_519 = vector.broadcast %rem3A_518 : i32 to vector<16xi32>
      %rem3A_520 = arith.remsi %add3A_517, %rem3A_519 : vector<16xi32>
      %lt3A_521 = arith.cmpi slt, %rem3A_520, %get3A_4 : vector<16xi32>
      %add3A_522 = arith.constant 1 : i32
      %add3A_523 = vector.broadcast %add3A_522 : i32 to vector<16xi32>
      %add3A_524 = arith.addi %get3A_509, %add3A_523 : vector<16xi32>
      %jit3A_525 = arith.constant 0 : i32
      %broadcast_in_dim3A_526 = vector.broadcast %jit3A_525 : i32 to vector<16xi32>
      %select_n3A_527 = arith.select %lt3A_521, %add3A_524, %broadcast_in_dim3A_526 : vector<16xi1>, vector<16xi32>
      %swap3A_528 = arith.constant 1 : i32
      %swap3A_529 = arith.constant 0 : i32
      %swap3A_530 = tpu.memref_slice %arg6[%swap3A_528, %swap3A_529] : memref<4x128xi32, #tpu.memory_space<vmem>> -> memref<1x128xi32, #tpu.memory_space<vmem>>
      %swap3A_531 = tpu.memref_squeeze %swap3A_530 : memref<1x128xi32, #tpu.memory_space<vmem>> -> memref<128xi32, #tpu.memory_space<vmem>>
      %swap3A_532 = arith.constant 112 : index
      %swap3A_533 = tpu.vector_load %swap3A_531[%swap3A_532] {strides = array<i32>} : memref<128xi32, #tpu.memory_space<vmem>>, vector<16xi32>,
      %swap3A_534 = vector.shape_cast %swap3A_533 : vector<16xi32> to vector<16xi32>
      %swap3A_535 = vector.shape_cast %select_n3A_527 : vector<16xi32> to vector<16xi32>
      tpu.vector_store %swap3A_531[%swap3A_532], %swap3A_535 {strides = array<i32>} : memref<128xi32, #tpu.memory_space<vmem>>, vector<16xi32>,
      %get3A_536 = arith.constant 2 : i32
      %get3A_537 = arith.constant 0 : i32
      %get3A_538 = tpu.memref_slice %arg6[%get3A_536, %get3A_537] : memref<4x128xi32, #tpu.memory_space<vmem>> -> memref<1x128xi32, #tpu.memory_space<vmem>>
      %get3A_539 = tpu.memref_squeeze %get3A_538 : memref<1x128xi32, #tpu.memory_space<vmem>> -> memref<128xi32, #tpu.memory_space<vmem>>
      %get3A_540 = arith.constant 0 : index
      %get3A_541 = tpu.vector_load %get3A_539[%get3A_540] {strides = array<i32>} : memref<128xi32, #tpu.memory_space<vmem>>, vector<16xi32>,
      %get3A_542 = vector.shape_cast %get3A_541 : vector<16xi32> to vector<16xi32>
      %add3A_543 = arith.constant 2 : i32
      %add3A_544 = arith.addi %add3A_13, %add3A_543 : i32
      %mul3A_545 = arith.constant 128 : i32
      %mul3A_546 = arith.muli %add3A_544, %mul3A_545 : i32
      %add3A_547 = arith.constant 0 : i32
      %add3A_548 = arith.addi %mul3A_546, %add3A_547 : i32
      %add3A_549 = vector.broadcast %add3A_548 : i32 to vector<16xi32>
      %add3A_550 = arith.addi %add3A_549, %iota3A : vector<16xi32>
      %rem3A_551 = arith.constant 200 : i32
      %rem3A_552 = vector.broadcast %rem3A_551 : i32 to vector<16xi32>
      %rem3A_553 = arith.remsi %add3A_550, %rem3A_552 : vector<16xi32>
      %lt3A_554 = arith.cmpi slt, %rem3A_553, %get3A_4 : vector<16xi32>
      %add3A_555 = arith.constant 1 : i32
      %add3A_556 = vector.broadcast %add3A_555 : i32 to vector<16xi32>
      %add3A_557 = arith.addi %get3A_542, %add3A_556 : vector<16xi32>
      %jit3A_558 = arith.constant 0 : i32
      %broadcast_in_dim3A_559 = vector.broadcast %jit3A_558 : i32 to vector<16xi32>
      %select_n3A_560 = arith.select %lt3A_554, %add3A_557, %broadcast_in_dim3A_559 : vector<16xi1>, vector<16xi32>
      %swap3A_561 = arith.constant 2 : i32
      %swap3A_562 = arith.constant 0 : i32
      %swap3A_563 = tpu.memref_slice %arg6[%swap3A_561, %swap3A_562] : memref<4x128xi32, #tpu.memory_space<vmem>> -> memref<1x128xi32, #tpu.memory_space<vmem>>
      %swap3A_564 = tpu.memref_squeeze %swap3A_563 : memref<1x128xi32, #tpu.memory_space<vmem>> -> memref<128xi32, #tpu.memory_space<vmem>>
      %swap3A_565 = arith.constant 0 : index
      %swap3A_566 = tpu.vector_load %swap3A_564[%swap3A_565] {strides = array<i32>} : memref<128xi32, #tpu.memory_space<vmem>>, vector<16xi32>,
      %swap3A_567 = vector.shape_cast %swap3A_566 : vector<16xi32> to vector<16xi32>
      %swap3A_568 = vector.shape_cast %select_n3A_560 : vector<16xi32> to vector<16xi32>
      tpu.vector_store %swap3A_564[%swap3A_565], %swap3A_568 {strides = array<i32>} : memref<128xi32, #tpu.memory_space<vmem>>, vector<16xi32>,
      %get3A_569 = arith.constant 2 : i32
      %get3A_570 = arith.constant 0 : i32
      %get3A_571 = tpu.memref_slice %arg6[%get3A_569, %get3A_570] : memref<4x128xi32, #tpu.memory_space<vmem>> -> memref<1x128xi32, #tpu.memory_space<vmem>>
      %get3A_572 = tpu.memref_squeeze %get3A_571 : memref<1x128xi32, #tpu.memory_space<vmem>> -> memref<128xi32, #tpu.memory_space<vmem>>
      %get3A_573 = arith.constant 16 : index
      %get3A_574 = tpu.vector_load %get3A_572[%get3A_573] {strides = array<i32>} : memref<128xi32, #tpu.memory_space<vmem>>, vector<16xi32>,
      %get3A_575 = vector.shape_cast %get3A_574 : vector<16xi32> to vector<16xi32>
      %add3A_576 = arith.constant 2 : i32
      %add3A_577 = arith.addi %add3A_13, %add3A_576 : i32
      %mul3A_578 = arith.constant 128 : i32
      %mul3A_579 = arith.muli %add3A_577, %mul3A_578 : i32
      %add3A_580 = arith.constant 16 : i32
      %add3A_581 = arith.addi %mul3A_579, %add3A_580 : i32
      %add3A_582 = vector.broadcast %add3A_581 : i32 to vector<16xi32>
      %add3A_583 = arith.addi %add3A_582, %iota3A : vector<16xi32>
      %rem3A_584 = arith.constant 200 : i32
      %rem3A_585 = vector.broadcast %rem3A_584 : i32 to vector<16xi32>
      %rem3A_586 = arith.remsi %add3A_583, %rem3A_585 : vector<16xi32>
      %lt3A_587 = arith.cmpi slt, %rem3A_586, %get3A_4 : vector<16xi32>
      %add3A_588 = arith.constant 1 : i32
      %add3A_589 = vector.broadcast %add3A_588 : i32 to vector<16xi32>
      %add3A_590 = arith.addi %get3A_575, %add3A_589 : vector<16xi32>
      %jit3A_591 = arith.constant 0 : i32
      %broadcast_in_dim3A_592 = vector.broadcast %jit3A_591 : i32 to vector<16xi32>
      %select_n3A_593 = arith.select %lt3A_587, %add3A_590, %broadcast_in_dim3A_592 : vector<16xi1>, vector<16xi32>
      %swap3A_594 = arith.constant 2 : i32
      %swap3A_595 = arith.constant 0 : i32
      %swap3A_596 = tpu.memref_slice %arg6[%swap3A_594, %swap3A_595] : memref<4x128xi32, #tpu.memory_space<vmem>> -> memref<1x128xi32, #tpu.memory_space<vmem>>
      %swap3A_597 = tpu.memref_squeeze %swap3A_596 : memref<1x128xi32, #tpu.memory_space<vmem>> -> memref<128xi32, #tpu.memory_space<vmem>>
      %swap3A_598 = arith.constant 16 : index
      %swap3A_599 = tpu.vector_load %swap3A_597[%swap3A_598] {strides = array<i32>} : memref<128xi32, #tpu.memory_space<vmem>>, vector<16xi32>,
      %swap3A_600 = vector.shape_cast %swap3A_599 : vector<16xi32> to vector<16xi32>
      %swap3A_601 = vector.shape_cast %select_n3A_593 : vector<16xi32> to vector<16xi32>
      tpu.vector_store %swap3A_597[%swap3A_598], %swap3A_601 {strides = array<i32>} : memref<128xi32, #tpu.memory_space<vmem>>, vector<16xi32>,
      %get3A_602 = arith.constant 2 : i32
      %get3A_603 = arith.constant 0 : i32
      %get3A_604 = tpu.memref_slice %arg6[%get3A_602, %get3A_603] : memref<4x128xi32, #tpu.memory_space<vmem>> -> memref<1x128xi32, #tpu.memory_space<vmem>>
      %get3A_605 = tpu.memref_squeeze %get3A_604 : memref<1x128xi32, #tpu.memory_space<vmem>> -> memref<128xi32, #tpu.memory_space<vmem>>
      %get3A_606 = arith.constant 32 : index
      %get3A_607 = tpu.vector_load %get3A_605[%get3A_606] {strides = array<i32>} : memref<128xi32, #tpu.memory_space<vmem>>, vector<16xi32>,
      %get3A_608 = vector.shape_cast %get3A_607 : vector<16xi32> to vector<16xi32>
      %add3A_609 = arith.constant 2 : i32
      %add3A_610 = arith.addi %add3A_13, %add3A_609 : i32
      %mul3A_611 = arith.constant 128 : i32
      %mul3A_612 = arith.muli %add3A_610, %mul3A_611 : i32
      %add3A_613 = arith.constant 32 : i32
      %add3A_614 = arith.addi %mul3A_612, %add3A_613 : i32
      %add3A_615 = vector.broadcast %add3A_614 : i32 to vector<16xi32>
      %add3A_616 = arith.addi %add3A_615, %iota3A : vector<16xi32>
      %rem3A_617 = arith.constant 200 : i32
      %rem3A_618 = vector.broadcast %rem3A_617 : i32 to vector<16xi32>
      %rem3A_619 = arith.remsi %add3A_616, %rem3A_618 : vector<16xi32>
      %lt3A_620 = arith.cmpi slt, %rem3A_619, %get3A_4 : vector<16xi32>
      %add3A_621 = arith.constant 1 : i32
      %add3A_622 = vector.broadcast %add3A_621 : i32 to vector<16xi32>
      %add3A_623 = arith.addi %get3A_608, %add3A_622 : vector<16xi32>
      %jit3A_624 = arith.constant 0 : i32
      %broadcast_in_dim3A_625 = vector.broadcast %jit3A_624 : i32 to vector<16xi32>
      %select_n3A_626 = arith.select %lt3A_620, %add3A_623, %broadcast_in_dim3A_625 : vector<16xi1>, vector<16xi32>
      %swap3A_627 = arith.constant 2 : i32
      %swap3A_628 = arith.constant 0 : i32
      %swap3A_629 = tpu.memref_slice %arg6[%swap3A_627, %swap3A_628] : memref<4x128xi32, #tpu.memory_space<vmem>> -> memref<1x128xi32, #tpu.memory_space<vmem>>
      %swap3A_630 = tpu.memref_squeeze %swap3A_629 : memref<1x128xi32, #tpu.memory_space<vmem>> -> memref<128xi32, #tpu.memory_space<vmem>>
      %swap3A_631 = arith.constant 32 : index
      %swap3A_632 = tpu.vector_load %swap3A_630[%swap3A_631] {strides = array<i32>} : memref<128xi32, #tpu.memory_space<vmem>>, vector<16xi32>,
      %swap3A_633 = vector.shape_cast %swap3A_632 : vector<16xi32> to vector<16xi32>
      %swap3A_634 = vector.shape_cast %select_n3A_626 : vector<16xi32> to vector<16xi32>
      tpu.vector_store %swap3A_630[%swap3A_631], %swap3A_634 {strides = array<i32>} : memref<128xi32, #tpu.memory_space<vmem>>, vector<16xi32>,
      %get3A_635 = arith.constant 2 : i32
      %get3A_636 = arith.constant 0 : i32
      %get3A_637 = tpu.memref_slice %arg6[%get3A_635, %get3A_636] : memref<4x128xi32, #tpu.memory_space<vmem>> -> memref<1x128xi32, #tpu.memory_space<vmem>>
      %get3A_638 = tpu.memref_squeeze %get3A_637 : memref<1x128xi32, #tpu.memory_space<vmem>> -> memref<128xi32, #tpu.memory_space<vmem>>
      %get3A_639 = arith.constant 48 : index
      %get3A_640 = tpu.vector_load %get3A_638[%get3A_639] {strides = array<i32>} : memref<128xi32, #tpu.memory_space<vmem>>, vector<16xi32>,
      %get3A_641 = vector.shape_cast %get3A_640 : vector<16xi32> to vector<16xi32>
      %add3A_642 = arith.constant 2 : i32
      %add3A_643 = arith.addi %add3A_13, %add3A_642 : i32
      %mul3A_644 = arith.constant 128 : i32
      %mul3A_645 = arith.muli %add3A_643, %mul3A_644 : i32
      %add3A_646 = arith.constant 48 : i32
      %add3A_647 = arith.addi %mul3A_645, %add3A_646 : i32
      %add3A_648 = vector.broadcast %add3A_647 : i32 to vector<16xi32>
      %add3A_649 = arith.addi %add3A_648, %iota3A : vector<16xi32>
      %rem3A_650 = arith.constant 200 : i32
      %rem3A_651 = vector.broadcast %rem3A_650 : i32 to vector<16xi32>
      %rem3A_652 = arith.remsi %add3A_649, %rem3A_651 : vector<16xi32>
      %lt3A_653 = arith.cmpi slt, %rem3A_652, %get3A_4 : vector<16xi32>
      %add3A_654 = arith.constant 1 : i32
      %add3A_655 = vector.broadcast %add3A_654 : i32 to vector<16xi32>
      %add3A_656 = arith.addi %get3A_641, %add3A_655 : vector<16xi32>
      %jit3A_657 = arith.constant 0 : i32
      %broadcast_in_dim3A_658 = vector.broadcast %jit3A_657 : i32 to vector<16xi32>
      %select_n3A_659 = arith.select %lt3A_653, %add3A_656, %broadcast_in_dim3A_658 : vector<16xi1>, vector<16xi32>
      %swap3A_660 = arith.constant 2 : i32
      %swap3A_661 = arith.constant 0 : i32
      %swap3A_662 = tpu.memref_slice %arg6[%swap3A_660, %swap3A_661] : memref<4x128xi32, #tpu.memory_space<vmem>> -> memref<1x128xi32, #tpu.memory_space<vmem>>
      %swap3A_663 = tpu.memref_squeeze %swap3A_662 : memref<1x128xi32, #tpu.memory_space<vmem>> -> memref<128xi32, #tpu.memory_space<vmem>>
      %swap3A_664 = arith.constant 48 : index
      %swap3A_665 = tpu.vector_load %swap3A_663[%swap3A_664] {strides = array<i32>} : memref<128xi32, #tpu.memory_space<vmem>>, vector<16xi32>,
      %swap3A_666 = vector.shape_cast %swap3A_665 : vector<16xi32> to vector<16xi32>
      %swap3A_667 = vector.shape_cast %select_n3A_659 : vector<16xi32> to vector<16xi32>
      tpu.vector_store %swap3A_663[%swap3A_664], %swap3A_667 {strides = array<i32>} : memref<128xi32, #tpu.memory_space<vmem>>, vector<16xi32>,
      %get3A_668 = arith.constant 2 : i32
      %get3A_669 = arith.constant 0 : i32
      %get3A_670 = tpu.memref_slice %arg6[%get3A_668, %get3A_669] : memref<4x128xi32, #tpu.memory_space<vmem>> -> memref<1x128xi32, #tpu.memory_space<vmem>>
      %get3A_671 = tpu.memref_squeeze %get3A_670 : memref<1x128xi32, #tpu.memory_space<vmem>> -> memref<128xi32, #tpu.memory_space<vmem>>
      %get3A_672 = arith.constant 64 : index
      %get3A_673 = tpu.vector_load %get3A_671[%get3A_672] {strides = array<i32>} : memref<128xi32, #tpu.memory_space<vmem>>, vector<16xi32>,
      %get3A_674 = vector.shape_cast %get3A_673 : vector<16xi32> to vector<16xi32>
      %add3A_675 = arith.constant 2 : i32
      %add3A_676 = arith.addi %add3A_13, %add3A_675 : i32
      %mul3A_677 = arith.constant 128 : i32
      %mul3A_678 = arith.muli %add3A_676, %mul3A_677 : i32
      %add3A_679 = arith.constant 64 : i32
      %add3A_680 = arith.addi %mul3A_678, %add3A_679 : i32
      %add3A_681 = vector.broadcast %add3A_680 : i32 to vector<16xi32>
      %add3A_682 = arith.addi %add3A_681, %iota3A : vector<16xi32>
      %rem3A_683 = arith.constant 200 : i32
      %rem3A_684 = vector.broadcast %rem3A_683 : i32 to vector<16xi32>
      %rem3A_685 = arith.remsi %add3A_682, %rem3A_684 : vector<16xi32>
      %lt3A_686 = arith.cmpi slt, %rem3A_685, %get3A_4 : vector<16xi32>
      %add3A_687 = arith.constant 1 : i32
      %add3A_688 = vector.broadcast %add3A_687 : i32 to vector<16xi32>
      %add3A_689 = arith.addi %get3A_674, %add3A_688 : vector<16xi32>
      %jit3A_690 = arith.constant 0 : i32
      %broadcast_in_dim3A_691 = vector.broadcast %jit3A_690 : i32 to vector<16xi32>
      %select_n3A_692 = arith.select %lt3A_686, %add3A_689, %broadcast_in_dim3A_691 : vector<16xi1>, vector<16xi32>
      %swap3A_693 = arith.constant 2 : i32
      %swap3A_694 = arith.constant 0 : i32
      %swap3A_695 = tpu.memref_slice %arg6[%swap3A_693, %swap3A_694] : memref<4x128xi32, #tpu.memory_space<vmem>> -> memref<1x128xi32, #tpu.memory_space<vmem>>
      %swap3A_696 = tpu.memref_squeeze %swap3A_695 : memref<1x128xi32, #tpu.memory_space<vmem>> -> memref<128xi32, #tpu.memory_space<vmem>>
      %swap3A_697 = arith.constant 64 : index
      %swap3A_698 = tpu.vector_load %swap3A_696[%swap3A_697] {strides = array<i32>} : memref<128xi32, #tpu.memory_space<vmem>>, vector<16xi32>,
      %swap3A_699 = vector.shape_cast %swap3A_698 : vector<16xi32> to vector<16xi32>
      %swap3A_700 = vector.shape_cast %select_n3A_692 : vector<16xi32> to vector<16xi32>
      tpu.vector_store %swap3A_696[%swap3A_697], %swap3A_700 {strides = array<i32>} : memref<128xi32, #tpu.memory_space<vmem>>, vector<16xi32>,
      %get3A_701 = arith.constant 2 : i32
      %get3A_702 = arith.constant 0 : i32
      %get3A_703 = tpu.memref_slice %arg6[%get3A_701, %get3A_702] : memref<4x128xi32, #tpu.memory_space<vmem>> -> memref<1x128xi32, #tpu.memory_space<vmem>>
      %get3A_704 = tpu.memref_squeeze %get3A_703 : memref<1x128xi32, #tpu.memory_space<vmem>> -> memref<128xi32, #tpu.memory_space<vmem>>
      %get3A_705 = arith.constant 80 : index
      %get3A_706 = tpu.vector_load %get3A_704[%get3A_705] {strides = array<i32>} : memref<128xi32, #tpu.memory_space<vmem>>, vector<16xi32>,
      %get3A_707 = vector.shape_cast %get3A_706 : vector<16xi32> to vector<16xi32>
      %add3A_708 = arith.constant 2 : i32
      %add3A_709 = arith.addi %add3A_13, %add3A_708 : i32
      %mul3A_710 = arith.constant 128 : i32
      %mul3A_711 = arith.muli %add3A_709, %mul3A_710 : i32
      %add3A_712 = arith.constant 80 : i32
      %add3A_713 = arith.addi %mul3A_711, %add3A_712 : i32
      %add3A_714 = vector.broadcast %add3A_713 : i32 to vector<16xi32>
      %add3A_715 = arith.addi %add3A_714, %iota3A : vector<16xi32>
      %rem3A_716 = arith.constant 200 : i32
      %rem3A_717 = vector.broadcast %rem3A_716 : i32 to vector<16xi32>
      %rem3A_718 = arith.remsi %add3A_715, %rem3A_717 : vector<16xi32>
      %lt3A_719 = arith.cmpi slt, %rem3A_718, %get3A_4 : vector<16xi32>
      %add3A_720 = arith.constant 1 : i32
      %add3A_721 = vector.broadcast %add3A_720 : i32 to vector<16xi32>
      %add3A_722 = arith.addi %get3A_707, %add3A_721 : vector<16xi32>
      %jit3A_723 = arith.constant 0 : i32
      %broadcast_in_dim3A_724 = vector.broadcast %jit3A_723 : i32 to vector<16xi32>
      %select_n3A_725 = arith.select %lt3A_719, %add3A_722, %broadcast_in_dim3A_724 : vector<16xi1>, vector<16xi32>
      %swap3A_726 = arith.constant 2 : i32
      %swap3A_727 = arith.constant 0 : i32
      %swap3A_728 = tpu.memref_slice %arg6[%swap3A_726, %swap3A_727] : memref<4x128xi32, #tpu.memory_space<vmem>> -> memref<1x128xi32, #tpu.memory_space<vmem>>
      %swap3A_729 = tpu.memref_squeeze %swap3A_728 : memref<1x128xi32, #tpu.memory_space<vmem>> -> memref<128xi32, #tpu.memory_space<vmem>>
      %swap3A_730 = arith.constant 80 : index
      %swap3A_731 = tpu.vector_load %swap3A_729[%swap3A_730] {strides = array<i32>} : memref<128xi32, #tpu.memory_space<vmem>>, vector<16xi32>,
      %swap3A_732 = vector.shape_cast %swap3A_731 : vector<16xi32> to vector<16xi32>
      %swap3A_733 = vector.shape_cast %select_n3A_725 : vector<16xi32> to vector<16xi32>
      tpu.vector_store %swap3A_729[%swap3A_730], %swap3A_733 {strides = array<i32>} : memref<128xi32, #tpu.memory_space<vmem>>, vector<16xi32>,
      %get3A_734 = arith.constant 2 : i32
      %get3A_735 = arith.constant 0 : i32
      %get3A_736 = tpu.memref_slice %arg6[%get3A_734, %get3A_735] : memref<4x128xi32, #tpu.memory_space<vmem>> -> memref<1x128xi32, #tpu.memory_space<vmem>>
      %get3A_737 = tpu.memref_squeeze %get3A_736 : memref<1x128xi32, #tpu.memory_space<vmem>> -> memref<128xi32, #tpu.memory_space<vmem>>
      %get3A_738 = arith.constant 96 : index
      %get3A_739 = tpu.vector_load %get3A_737[%get3A_738] {strides = array<i32>} : memref<128xi32, #tpu.memory_space<vmem>>, vector<16xi32>,
      %get3A_740 = vector.shape_cast %get3A_739 : vector<16xi32> to vector<16xi32>
      %add3A_741 = arith.constant 2 : i32
      %add3A_742 = arith.addi %add3A_13, %add3A_741 : i32
      %mul3A_743 = arith.constant 128 : i32
      %mul3A_744 = arith.muli %add3A_742, %mul3A_743 : i32
      %add3A_745 = arith.constant 96 : i32
      %add3A_746 = arith.addi %mul3A_744, %add3A_745 : i32
      %add3A_747 = vector.broadcast %add3A_746 : i32 to vector<16xi32>
      %add3A_748 = arith.addi %add3A_747, %iota3A : vector<16xi32>
      %rem3A_749 = arith.constant 200 : i32
      %rem3A_750 = vector.broadcast %rem3A_749 : i32 to vector<16xi32>
      %rem3A_751 = arith.remsi %add3A_748, %rem3A_750 : vector<16xi32>
      %lt3A_752 = arith.cmpi slt, %rem3A_751, %get3A_4 : vector<16xi32>
      %add3A_753 = arith.constant 1 : i32
      %add3A_754 = vector.broadcast %add3A_753 : i32 to vector<16xi32>
      %add3A_755 = arith.addi %get3A_740, %add3A_754 : vector<16xi32>
      %jit3A_756 = arith.constant 0 : i32
      %broadcast_in_dim3A_757 = vector.broadcast %jit3A_756 : i32 to vector<16xi32>
      %select_n3A_758 = arith.select %lt3A_752, %add3A_755, %broadcast_in_dim3A_757 : vector<16xi1>, vector<16xi32>
      %swap3A_759 = arith.constant 2 : i32
      %swap3A_760 = arith.constant 0 : i32
      %swap3A_761 = tpu.memref_slice %arg6[%swap3A_759, %swap3A_760] : memref<4x128xi32, #tpu.memory_space<vmem>> -> memref<1x128xi32, #tpu.memory_space<vmem>>
      %swap3A_762 = tpu.memref_squeeze %swap3A_761 : memref<1x128xi32, #tpu.memory_space<vmem>> -> memref<128xi32, #tpu.memory_space<vmem>>
      %swap3A_763 = arith.constant 96 : index
      %swap3A_764 = tpu.vector_load %swap3A_762[%swap3A_763] {strides = array<i32>} : memref<128xi32, #tpu.memory_space<vmem>>, vector<16xi32>,
      %swap3A_765 = vector.shape_cast %swap3A_764 : vector<16xi32> to vector<16xi32>
      %swap3A_766 = vector.shape_cast %select_n3A_758 : vector<16xi32> to vector<16xi32>
      tpu.vector_store %swap3A_762[%swap3A_763], %swap3A_766 {strides = array<i32>} : memref<128xi32, #tpu.memory_space<vmem>>, vector<16xi32>,
      %get3A_767 = arith.constant 2 : i32
      %get3A_768 = arith.constant 0 : i32
      %get3A_769 = tpu.memref_slice %arg6[%get3A_767, %get3A_768] : memref<4x128xi32, #tpu.memory_space<vmem>> -> memref<1x128xi32, #tpu.memory_space<vmem>>
      %get3A_770 = tpu.memref_squeeze %get3A_769 : memref<1x128xi32, #tpu.memory_space<vmem>> -> memref<128xi32, #tpu.memory_space<vmem>>
      %get3A_771 = arith.constant 112 : index
      %get3A_772 = tpu.vector_load %get3A_770[%get3A_771] {strides = array<i32>} : memref<128xi32, #tpu.memory_space<vmem>>, vector<16xi32>,
      %get3A_773 = vector.shape_cast %get3A_772 : vector<16xi32> to vector<16xi32>
      %add3A_774 = arith.constant 2 : i32
      %add3A_775 = arith.addi %add3A_13, %add3A_774 : i32
      %mul3A_776 = arith.constant 128 : i32
      %mul3A_777 = arith.muli %add3A_775, %mul3A_776 : i32
      %add3A_778 = arith.constant 112 : i32
      %add3A_779 = arith.addi %mul3A_777, %add3A_778 : i32
      %add3A_780 = vector.broadcast %add3A_779 : i32 to vector<16xi32>
      %add3A_781 = arith.addi %add3A_780, %iota3A : vector<16xi32>
      %rem3A_782 = arith.constant 200 : i32
      %rem3A_783 = vector.broadcast %rem3A_782 : i32 to vector<16xi32>
      %rem3A_784 = arith.remsi %add3A_781, %rem3A_783 : vector<16xi32>
      %lt3A_785 = arith.cmpi slt, %rem3A_784, %get3A_4 : vector<16xi32>
      %add3A_786 = arith.constant 1 : i32
      %add3A_787 = vector.broadcast %add3A_786 : i32 to vector<16xi32>
      %add3A_788 = arith.addi %get3A_773, %add3A_787 : vector<16xi32>
      %jit3A_789 = arith.constant 0 : i32
      %broadcast_in_dim3A_790 = vector.broadcast %jit3A_789 : i32 to vector<16xi32>
      %select_n3A_791 = arith.select %lt3A_785, %add3A_788, %broadcast_in_dim3A_790 : vector<16xi1>, vector<16xi32>
      %swap3A_792 = arith.constant 2 : i32
      %swap3A_793 = arith.constant 0 : i32
      %swap3A_794 = tpu.memref_slice %arg6[%swap3A_792, %swap3A_793] : memref<4x128xi32, #tpu.memory_space<vmem>> -> memref<1x128xi32, #tpu.memory_space<vmem>>
      %swap3A_795 = tpu.memref_squeeze %swap3A_794 : memref<1x128xi32, #tpu.memory_space<vmem>> -> memref<128xi32, #tpu.memory_space<vmem>>
      %swap3A_796 = arith.constant 112 : index
      %swap3A_797 = tpu.vector_load %swap3A_795[%swap3A_796] {strides = array<i32>} : memref<128xi32, #tpu.memory_space<vmem>>, vector<16xi32>,
      %swap3A_798 = vector.shape_cast %swap3A_797 : vector<16xi32> to vector<16xi32>
      %swap3A_799 = vector.shape_cast %select_n3A_791 : vector<16xi32> to vector<16xi32>
      tpu.vector_store %swap3A_795[%swap3A_796], %swap3A_799 {strides = array<i32>} : memref<128xi32, #tpu.memory_space<vmem>>, vector<16xi32>,
      %get3A_800 = arith.constant 3 : i32
      %get3A_801 = arith.constant 0 : i32
      %get3A_802 = tpu.memref_slice %arg6[%get3A_800, %get3A_801] : memref<4x128xi32, #tpu.memory_space<vmem>> -> memref<1x128xi32, #tpu.memory_space<vmem>>
      %get3A_803 = tpu.memref_squeeze %get3A_802 : memref<1x128xi32, #tpu.memory_space<vmem>> -> memref<128xi32, #tpu.memory_space<vmem>>
      %get3A_804 = arith.constant 0 : index
      %get3A_805 = tpu.vector_load %get3A_803[%get3A_804] {strides = array<i32>} : memref<128xi32, #tpu.memory_space<vmem>>, vector<16xi32>,
      %get3A_806 = vector.shape_cast %get3A_805 : vector<16xi32> to vector<16xi32>
      %add3A_807 = arith.constant 3 : i32
      %add3A_808 = arith.addi %add3A_13, %add3A_807 : i32
      %mul3A_809 = arith.constant 128 : i32
      %mul3A_810 = arith.muli %add3A_808, %mul3A_809 : i32
      %add3A_811 = arith.constant 0 : i32
      %add3A_812 = arith.addi %mul3A_810, %add3A_811 : i32
      %add3A_813 = vector.broadcast %add3A_812 : i32 to vector<16xi32>
      %add3A_814 = arith.addi %add3A_813, %iota3A : vector<16xi32>
      %rem3A_815 = arith.constant 200 : i32
      %rem3A_816 = vector.broadcast %rem3A_815 : i32 to vector<16xi32>
      %rem3A_817 = arith.remsi %add3A_814, %rem3A_816 : vector<16xi32>
      %lt3A_818 = arith.cmpi slt, %rem3A_817, %get3A_4 : vector<16xi32>
      %add3A_819 = arith.constant 1 : i32
      %add3A_820 = vector.broadcast %add3A_819 : i32 to vector<16xi32>
      %add3A_821 = arith.addi %get3A_806, %add3A_820 : vector<16xi32>
      %jit3A_822 = arith.constant 0 : i32
      %broadcast_in_dim3A_823 = vector.broadcast %jit3A_822 : i32 to vector<16xi32>
      %select_n3A_824 = arith.select %lt3A_818, %add3A_821, %broadcast_in_dim3A_823 : vector<16xi1>, vector<16xi32>
      %swap3A_825 = arith.constant 3 : i32
      %swap3A_826 = arith.constant 0 : i32
      %swap3A_827 = tpu.memref_slice %arg6[%swap3A_825, %swap3A_826] : memref<4x128xi32, #tpu.memory_space<vmem>> -> memref<1x128xi32, #tpu.memory_space<vmem>>
      %swap3A_828 = tpu.memref_squeeze %swap3A_827 : memref<1x128xi32, #tpu.memory_space<vmem>> -> memref<128xi32, #tpu.memory_space<vmem>>
      %swap3A_829 = arith.constant 0 : index
      %swap3A_830 = tpu.vector_load %swap3A_828[%swap3A_829] {strides = array<i32>} : memref<128xi32, #tpu.memory_space<vmem>>, vector<16xi32>,
      %swap3A_831 = vector.shape_cast %swap3A_830 : vector<16xi32> to vector<16xi32>
      %swap3A_832 = vector.shape_cast %select_n3A_824 : vector<16xi32> to vector<16xi32>
      tpu.vector_store %swap3A_828[%swap3A_829], %swap3A_832 {strides = array<i32>} : memref<128xi32, #tpu.memory_space<vmem>>, vector<16xi32>,
      %get3A_833 = arith.constant 3 : i32
      %get3A_834 = arith.constant 0 : i32
      %get3A_835 = tpu.memref_slice %arg6[%get3A_833, %get3A_834] : memref<4x128xi32, #tpu.memory_space<vmem>> -> memref<1x128xi32, #tpu.memory_space<vmem>>
      %get3A_836 = tpu.memref_squeeze %get3A_835 : memref<1x128xi32, #tpu.memory_space<vmem>> -> memref<128xi32, #tpu.memory_space<vmem>>
      %get3A_837 = arith.constant 16 : index
      %get3A_838 = tpu.vector_load %get3A_836[%get3A_837] {strides = array<i32>} : memref<128xi32, #tpu.memory_space<vmem>>, vector<16xi32>,
      %get3A_839 = vector.shape_cast %get3A_838 : vector<16xi32> to vector<16xi32>
      %add3A_840 = arith.constant 3 : i32
      %add3A_841 = arith.addi %add3A_13, %add3A_840 : i32
      %mul3A_842 = arith.constant 128 : i32
      %mul3A_843 = arith.muli %add3A_841, %mul3A_842 : i32
      %add3A_844 = arith.constant 16 : i32
      %add3A_845 = arith.addi %mul3A_843, %add3A_844 : i32
      %add3A_846 = vector.broadcast %add3A_845 : i32 to vector<16xi32>
      %add3A_847 = arith.addi %add3A_846, %iota3A : vector<16xi32>
      %rem3A_848 = arith.constant 200 : i32
      %rem3A_849 = vector.broadcast %rem3A_848 : i32 to vector<16xi32>
      %rem3A_850 = arith.remsi %add3A_847, %rem3A_849 : vector<16xi32>
      %lt3A_851 = arith.cmpi slt, %rem3A_850, %get3A_4 : vector<16xi32>
      %add3A_852 = arith.constant 1 : i32
      %add3A_853 = vector.broadcast %add3A_852 : i32 to vector<16xi32>
      %add3A_854 = arith.addi %get3A_839, %add3A_853 : vector<16xi32>
      %jit3A_855 = arith.constant 0 : i32
      %broadcast_in_dim3A_856 = vector.broadcast %jit3A_855 : i32 to vector<16xi32>
      %select_n3A_857 = arith.select %lt3A_851, %add3A_854, %broadcast_in_dim3A_856 : vector<16xi1>, vector<16xi32>
      %swap3A_858 = arith.constant 3 : i32
      %swap3A_859 = arith.constant 0 : i32
      %swap3A_860 = tpu.memref_slice %arg6[%swap3A_858, %swap3A_859] : memref<4x128xi32, #tpu.memory_space<vmem>> -> memref<1x128xi32, #tpu.memory_space<vmem>>
      %swap3A_861 = tpu.memref_squeeze %swap3A_860 : memref<1x128xi32, #tpu.memory_space<vmem>> -> memref<128xi32, #tpu.memory_space<vmem>>
      %swap3A_862 = arith.constant 16 : index
      %swap3A_863 = tpu.vector_load %swap3A_861[%swap3A_862] {strides = array<i32>} : memref<128xi32, #tpu.memory_space<vmem>>, vector<16xi32>,
      %swap3A_864 = vector.shape_cast %swap3A_863 : vector<16xi32> to vector<16xi32>
      %swap3A_865 = vector.shape_cast %select_n3A_857 : vector<16xi32> to vector<16xi32>
      tpu.vector_store %swap3A_861[%swap3A_862], %swap3A_865 {strides = array<i32>} : memref<128xi32, #tpu.memory_space<vmem>>, vector<16xi32>,
      %get3A_866 = arith.constant 3 : i32
      %get3A_867 = arith.constant 0 : i32
      %get3A_868 = tpu.memref_slice %arg6[%get3A_866, %get3A_867] : memref<4x128xi32, #tpu.memory_space<vmem>> -> memref<1x128xi32, #tpu.memory_space<vmem>>
      %get3A_869 = tpu.memref_squeeze %get3A_868 : memref<1x128xi32, #tpu.memory_space<vmem>> -> memref<128xi32, #tpu.memory_space<vmem>>
      %get3A_870 = arith.constant 32 : index
      %get3A_871 = tpu.vector_load %get3A_869[%get3A_870] {strides = array<i32>} : memref<128xi32, #tpu.memory_space<vmem>>, vector<16xi32>,
      %get3A_872 = vector.shape_cast %get3A_871 : vector<16xi32> to vector<16xi32>
      %add3A_873 = arith.constant 3 : i32
      %add3A_874 = arith.addi %add3A_13, %add3A_873 : i32
      %mul3A_875 = arith.constant 128 : i32
      %mul3A_876 = arith.muli %add3A_874, %mul3A_875 : i32
      %add3A_877 = arith.constant 32 : i32
      %add3A_878 = arith.addi %mul3A_876, %add3A_877 : i32
      %add3A_879 = vector.broadcast %add3A_878 : i32 to vector<16xi32>
      %add3A_880 = arith.addi %add3A_879, %iota3A : vector<16xi32>
      %rem3A_881 = arith.constant 200 : i32
      %rem3A_882 = vector.broadcast %rem3A_881 : i32 to vector<16xi32>
      %rem3A_883 = arith.remsi %add3A_880, %rem3A_882 : vector<16xi32>
      %lt3A_884 = arith.cmpi slt, %rem3A_883, %get3A_4 : vector<16xi32>
      %add3A_885 = arith.constant 1 : i32
      %add3A_886 = vector.broadcast %add3A_885 : i32 to vector<16xi32>
      %add3A_887 = arith.addi %get3A_872, %add3A_886 : vector<16xi32>
      %jit3A_888 = arith.constant 0 : i32
      %broadcast_in_dim3A_889 = vector.broadcast %jit3A_888 : i32 to vector<16xi32>
      %select_n3A_890 = arith.select %lt3A_884, %add3A_887, %broadcast_in_dim3A_889 : vector<16xi1>, vector<16xi32>
      %swap3A_891 = arith.constant 3 : i32
      %swap3A_892 = arith.constant 0 : i32
      %swap3A_893 = tpu.memref_slice %arg6[%swap3A_891, %swap3A_892] : memref<4x128xi32, #tpu.memory_space<vmem>> -> memref<1x128xi32, #tpu.memory_space<vmem>>
      %swap3A_894 = tpu.memref_squeeze %swap3A_893 : memref<1x128xi32, #tpu.memory_space<vmem>> -> memref<128xi32, #tpu.memory_space<vmem>>
      %swap3A_895 = arith.constant 32 : index
      %swap3A_896 = tpu.vector_load %swap3A_894[%swap3A_895] {strides = array<i32>} : memref<128xi32, #tpu.memory_space<vmem>>, vector<16xi32>,
      %swap3A_897 = vector.shape_cast %swap3A_896 : vector<16xi32> to vector<16xi32>
      %swap3A_898 = vector.shape_cast %select_n3A_890 : vector<16xi32> to vector<16xi32>
      tpu.vector_store %swap3A_894[%swap3A_895], %swap3A_898 {strides = array<i32>} : memref<128xi32, #tpu.memory_space<vmem>>, vector<16xi32>,
      %get3A_899 = arith.constant 3 : i32
      %get3A_900 = arith.constant 0 : i32
      %get3A_901 = tpu.memref_slice %arg6[%get3A_899, %get3A_900] : memref<4x128xi32, #tpu.memory_space<vmem>> -> memref<1x128xi32, #tpu.memory_space<vmem>>
      %get3A_902 = tpu.memref_squeeze %get3A_901 : memref<1x128xi32, #tpu.memory_space<vmem>> -> memref<128xi32, #tpu.memory_space<vmem>>
      %get3A_903 = arith.constant 48 : index
      %get3A_904 = tpu.vector_load %get3A_902[%get3A_903] {strides = array<i32>} : memref<128xi32, #tpu.memory_space<vmem>>, vector<16xi32>,
      %get3A_905 = vector.shape_cast %get3A_904 : vector<16xi32> to vector<16xi32>
      %add3A_906 = arith.constant 3 : i32
      %add3A_907 = arith.addi %add3A_13, %add3A_906 : i32
      %mul3A_908 = arith.constant 128 : i32
      %mul3A_909 = arith.muli %add3A_907, %mul3A_908 : i32
      %add3A_910 = arith.constant 48 : i32
      %add3A_911 = arith.addi %mul3A_909, %add3A_910 : i32
      %add3A_912 = vector.broadcast %add3A_911 : i32 to vector<16xi32>
      %add3A_913 = arith.addi %add3A_912, %iota3A : vector<16xi32>
      %rem3A_914 = arith.constant 200 : i32
      %rem3A_915 = vector.broadcast %rem3A_914 : i32 to vector<16xi32>
      %rem3A_916 = arith.remsi %add3A_913, %rem3A_915 : vector<16xi32>
      %lt3A_917 = arith.cmpi slt, %rem3A_916, %get3A_4 : vector<16xi32>
      %add3A_918 = arith.constant 1 : i32
      %add3A_919 = vector.broadcast %add3A_918 : i32 to vector<16xi32>
      %add3A_920 = arith.addi %get3A_905, %add3A_919 : vector<16xi32>
      %jit3A_921 = arith.constant 0 : i32
      %broadcast_in_dim3A_922 = vector.broadcast %jit3A_921 : i32 to vector<16xi32>
      %select_n3A_923 = arith.select %lt3A_917, %add3A_920, %broadcast_in_dim3A_922 : vector<16xi1>, vector<16xi32>
      %swap3A_924 = arith.constant 3 : i32
      %swap3A_925 = arith.constant 0 : i32
      %swap3A_926 = tpu.memref_slice %arg6[%swap3A_924, %swap3A_925] : memref<4x128xi32, #tpu.memory_space<vmem>> -> memref<1x128xi32, #tpu.memory_space<vmem>>
      %swap3A_927 = tpu.memref_squeeze %swap3A_926 : memref<1x128xi32, #tpu.memory_space<vmem>> -> memref<128xi32, #tpu.memory_space<vmem>>
      %swap3A_928 = arith.constant 48 : index
      %swap3A_929 = tpu.vector_load %swap3A_927[%swap3A_928] {strides = array<i32>} : memref<128xi32, #tpu.memory_space<vmem>>, vector<16xi32>,
      %swap3A_930 = vector.shape_cast %swap3A_929 : vector<16xi32> to vector<16xi32>
      %swap3A_931 = vector.shape_cast %select_n3A_923 : vector<16xi32> to vector<16xi32>
      tpu.vector_store %swap3A_927[%swap3A_928], %swap3A_931 {strides = array<i32>} : memref<128xi32, #tpu.memory_space<vmem>>, vector<16xi32>,
      %get3A_932 = arith.constant 3 : i32
      %get3A_933 = arith.constant 0 : i32
      %get3A_934 = tpu.memref_slice %arg6[%get3A_932, %get3A_933] : memref<4x128xi32, #tpu.memory_space<vmem>> -> memref<1x128xi32, #tpu.memory_space<vmem>>
      %get3A_935 = tpu.memref_squeeze %get3A_934 : memref<1x128xi32, #tpu.memory_space<vmem>> -> memref<128xi32, #tpu.memory_space<vmem>>
      %get3A_936 = arith.constant 64 : index
      %get3A_937 = tpu.vector_load %get3A_935[%get3A_936] {strides = array<i32>} : memref<128xi32, #tpu.memory_space<vmem>>, vector<16xi32>,
      %get3A_938 = vector.shape_cast %get3A_937 : vector<16xi32> to vector<16xi32>
      %add3A_939 = arith.constant 3 : i32
      %add3A_940 = arith.addi %add3A_13, %add3A_939 : i32
      %mul3A_941 = arith.constant 128 : i32
      %mul3A_942 = arith.muli %add3A_940, %mul3A_941 : i32
      %add3A_943 = arith.constant 64 : i32
      %add3A_944 = arith.addi %mul3A_942, %add3A_943 : i32
      %add3A_945 = vector.broadcast %add3A_944 : i32 to vector<16xi32>
      %add3A_946 = arith.addi %add3A_945, %iota3A : vector<16xi32>
      %rem3A_947 = arith.constant 200 : i32
      %rem3A_948 = vector.broadcast %rem3A_947 : i32 to vector<16xi32>
      %rem3A_949 = arith.remsi %add3A_946, %rem3A_948 : vector<16xi32>
      %lt3A_950 = arith.cmpi slt, %rem3A_949, %get3A_4 : vector<16xi32>
      %add3A_951 = arith.constant 1 : i32
      %add3A_952 = vector.broadcast %add3A_951 : i32 to vector<16xi32>
      %add3A_953 = arith.addi %get3A_938, %add3A_952 : vector<16xi32>
      %jit3A_954 = arith.constant 0 : i32
      %broadcast_in_dim3A_955 = vector.broadcast %jit3A_954 : i32 to vector<16xi32>
      %select_n3A_956 = arith.select %lt3A_950, %add3A_953, %broadcast_in_dim3A_955 : vector<16xi1>, vector<16xi32>
      %swap3A_957 = arith.constant 3 : i32
      %swap3A_958 = arith.constant 0 : i32
      %swap3A_959 = tpu.memref_slice %arg6[%swap3A_957, %swap3A_958] : memref<4x128xi32, #tpu.memory_space<vmem>> -> memref<1x128xi32, #tpu.memory_space<vmem>>
      %swap3A_960 = tpu.memref_squeeze %swap3A_959 : memref<1x128xi32, #tpu.memory_space<vmem>> -> memref<128xi32, #tpu.memory_space<vmem>>
      %swap3A_961 = arith.constant 64 : index
      %swap3A_962 = tpu.vector_load %swap3A_960[%swap3A_961] {strides = array<i32>} : memref<128xi32, #tpu.memory_space<vmem>>, vector<16xi32>,
      %swap3A_963 = vector.shape_cast %swap3A_962 : vector<16xi32> to vector<16xi32>
      %swap3A_964 = vector.shape_cast %select_n3A_956 : vector<16xi32> to vector<16xi32>
      tpu.vector_store %swap3A_960[%swap3A_961], %swap3A_964 {strides = array<i32>} : memref<128xi32, #tpu.memory_space<vmem>>, vector<16xi32>,
      %get3A_965 = arith.constant 3 : i32
      %get3A_966 = arith.constant 0 : i32
      %get3A_967 = tpu.memref_slice %arg6[%get3A_965, %get3A_966] : memref<4x128xi32, #tpu.memory_space<vmem>> -> memref<1x128xi32, #tpu.memory_space<vmem>>
      %get3A_968 = tpu.memref_squeeze %get3A_967 : memref<1x128xi32, #tpu.memory_space<vmem>> -> memref<128xi32, #tpu.memory_space<vmem>>
      %get3A_969 = arith.constant 80 : index
      %get3A_970 = tpu.vector_load %get3A_968[%get3A_969] {strides = array<i32>} : memref<128xi32, #tpu.memory_space<vmem>>, vector<16xi32>,
      %get3A_971 = vector.shape_cast %get3A_970 : vector<16xi32> to vector<16xi32>
      %add3A_972 = arith.constant 3 : i32
      %add3A_973 = arith.addi %add3A_13, %add3A_972 : i32
      %mul3A_974 = arith.constant 128 : i32
      %mul3A_975 = arith.muli %add3A_973, %mul3A_974 : i32
      %add3A_976 = arith.constant 80 : i32
      %add3A_977 = arith.addi %mul3A_975, %add3A_976 : i32
      %add3A_978 = vector.broadcast %add3A_977 : i32 to vector<16xi32>
      %add3A_979 = arith.addi %add3A_978, %iota3A : vector<16xi32>
      %rem3A_980 = arith.constant 200 : i32
      %rem3A_981 = vector.broadcast %rem3A_980 : i32 to vector<16xi32>
      %rem3A_982 = arith.remsi %add3A_979, %rem3A_981 : vector<16xi32>
      %lt3A_983 = arith.cmpi slt, %rem3A_982, %get3A_4 : vector<16xi32>
      %add3A_984 = arith.constant 1 : i32
      %add3A_985 = vector.broadcast %add3A_984 : i32 to vector<16xi32>
      %add3A_986 = arith.addi %get3A_971, %add3A_985 : vector<16xi32>
      %jit3A_987 = arith.constant 0 : i32
      %broadcast_in_dim3A_988 = vector.broadcast %jit3A_987 : i32 to vector<16xi32>
      %select_n3A_989 = arith.select %lt3A_983, %add3A_986, %broadcast_in_dim3A_988 : vector<16xi1>, vector<16xi32>
      %swap3A_990 = arith.constant 3 : i32
      %swap3A_991 = arith.constant 0 : i32
      %swap3A_992 = tpu.memref_slice %arg6[%swap3A_990, %swap3A_991] : memref<4x128xi32, #tpu.memory_space<vmem>> -> memref<1x128xi32, #tpu.memory_space<vmem>>
      %swap3A_993 = tpu.memref_squeeze %swap3A_992 : memref<1x128xi32, #tpu.memory_space<vmem>> -> memref<128xi32, #tpu.memory_space<vmem>>
      %swap3A_994 = arith.constant 80 : index
      %swap3A_995 = tpu.vector_load %swap3A_993[%swap3A_994] {strides = array<i32>} : memref<128xi32, #tpu.memory_space<vmem>>, vector<16xi32>,
      %swap3A_996 = vector.shape_cast %swap3A_995 : vector<16xi32> to vector<16xi32>
      %swap3A_997 = vector.shape_cast %select_n3A_989 : vector<16xi32> to vector<16xi32>
      tpu.vector_store %swap3A_993[%swap3A_994], %swap3A_997 {strides = array<i32>} : memref<128xi32, #tpu.memory_space<vmem>>, vector<16xi32>,
      %get3A_998 = arith.constant 3 : i32
      %get3A_999 = arith.constant 0 : i32
      %get3A_1000 = tpu.memref_slice %arg6[%get3A_998, %get3A_999] : memref<4x128xi32, #tpu.memory_space<vmem>> -> memref<1x128xi32, #tpu.memory_space<vmem>>
      %get3A_1001 = tpu.memref_squeeze %get3A_1000 : memref<1x128xi32, #tpu.memory_space<vmem>> -> memref<128xi32, #tpu.memory_space<vmem>>
      %get3A_1002 = arith.constant 96 : index
      %get3A_1003 = tpu.vector_load %get3A_1001[%get3A_1002] {strides = array<i32>} : memref<128xi32, #tpu.memory_space<vmem>>, vector<16xi32>,
      %get3A_1004 = vector.shape_cast %get3A_1003 : vector<16xi32> to vector<16xi32>
      %add3A_1005 = arith.constant 3 : i32
      %add3A_1006 = arith.addi %add3A_13, %add3A_1005 : i32
      %mul3A_1007 = arith.constant 128 : i32
      %mul3A_1008 = arith.muli %add3A_1006, %mul3A_1007 : i32
      %add3A_1009 = arith.constant 96 : i32
      %add3A_1010 = arith.addi %mul3A_1008, %add3A_1009 : i32
      %add3A_1011 = vector.broadcast %add3A_1010 : i32 to vector<16xi32>
      %add3A_1012 = arith.addi %add3A_1011, %iota3A : vector<16xi32>
      %rem3A_1013 = arith.constant 200 : i32
      %rem3A_1014 = vector.broadcast %rem3A_1013 : i32 to vector<16xi32>
      %rem3A_1015 = arith.remsi %add3A_1012, %rem3A_1014 : vector<16xi32>
      %lt3A_1016 = arith.cmpi slt, %rem3A_1015, %get3A_4 : vector<16xi32>
      %add3A_1017 = arith.constant 1 : i32
      %add3A_1018 = vector.broadcast %add3A_1017 : i32 to vector<16xi32>
      %add3A_1019 = arith.addi %get3A_1004, %add3A_1018 : vector<16xi32>
      %jit3A_1020 = arith.constant 0 : i32
      %broadcast_in_dim3A_1021 = vector.broadcast %jit3A_1020 : i32 to vector<16xi32>
      %select_n3A_1022 = arith.select %lt3A_1016, %add3A_1019, %broadcast_in_dim3A_1021 : vector<16xi1>, vector<16xi32>
      %swap3A_1023 = arith.constant 3 : i32
      %swap3A_1024 = arith.constant 0 : i32
      %swap3A_1025 = tpu.memref_slice %arg6[%swap3A_1023, %swap3A_1024] : memref<4x128xi32, #tpu.memory_space<vmem>> -> memref<1x128xi32, #tpu.memory_space<vmem>>
      %swap3A_1026 = tpu.memref_squeeze %swap3A_1025 : memref<1x128xi32, #tpu.memory_space<vmem>> -> memref<128xi32, #tpu.memory_space<vmem>>
      %swap3A_1027 = arith.constant 96 : index
      %swap3A_1028 = tpu.vector_load %swap3A_1026[%swap3A_1027] {strides = array<i32>} : memref<128xi32, #tpu.memory_space<vmem>>, vector<16xi32>,
      %swap3A_1029 = vector.shape_cast %swap3A_1028 : vector<16xi32> to vector<16xi32>
      %swap3A_1030 = vector.shape_cast %select_n3A_1022 : vector<16xi32> to vector<16xi32>
      tpu.vector_store %swap3A_1026[%swap3A_1027], %swap3A_1030 {strides = array<i32>} : memref<128xi32, #tpu.memory_space<vmem>>, vector<16xi32>,
      %get3A_1031 = arith.constant 3 : i32
      %get3A_1032 = arith.constant 0 : i32
      %get3A_1033 = tpu.memref_slice %arg6[%get3A_1031, %get3A_1032] : memref<4x128xi32, #tpu.memory_space<vmem>> -> memref<1x128xi32, #tpu.memory_space<vmem>>
      %get3A_1034 = tpu.memref_squeeze %get3A_1033 : memref<1x128xi32, #tpu.memory_space<vmem>> -> memref<128xi32, #tpu.memory_space<vmem>>
      %get3A_1035 = arith.constant 112 : index
      %get3A_1036 = tpu.vector_load %get3A_1034[%get3A_1035] {strides = array<i32>} : memref<128xi32, #tpu.memory_space<vmem>>, vector<16xi32>,
      %get3A_1037 = vector.shape_cast %get3A_1036 : vector<16xi32> to vector<16xi32>
      %add3A_1038 = arith.constant 3 : i32
      %add3A_1039 = arith.addi %add3A_13, %add3A_1038 : i32
      %mul3A_1040 = arith.constant 128 : i32
      %mul3A_1041 = arith.muli %add3A_1039, %mul3A_1040 : i32
      %add3A_1042 = arith.constant 112 : i32
      %add3A_1043 = arith.addi %mul3A_1041, %add3A_1042 : i32
      %add3A_1044 = vector.broadcast %add3A_1043 : i32 to vector<16xi32>
      %add3A_1045 = arith.addi %add3A_1044, %iota3A : vector<16xi32>
      %rem3A_1046 = arith.constant 200 : i32
      %rem3A_1047 = vector.broadcast %rem3A_1046 : i32 to vector<16xi32>
      %rem3A_1048 = arith.remsi %add3A_1045, %rem3A_1047 : vector<16xi32>
      %lt3A_1049 = arith.cmpi slt, %rem3A_1048, %get3A_4 : vector<16xi32>
      %add3A_1050 = arith.constant 1 : i32
      %add3A_1051 = vector.broadcast %add3A_1050 : i32 to vector<16xi32>
      %add3A_1052 = arith.addi %get3A_1037, %add3A_1051 : vector<16xi32>
      %jit3A_1053 = arith.constant 0 : i32
      %broadcast_in_dim3A_1054 = vector.broadcast %jit3A_1053 : i32 to vector<16xi32>
      %select_n3A_1055 = arith.select %lt3A_1049, %add3A_1052, %broadcast_in_dim3A_1054 : vector<16xi1>, vector<16xi32>
      %swap3A_1056 = arith.constant 3 : i32
      %swap3A_1057 = arith.constant 0 : i32
      %swap3A_1058 = tpu.memref_slice %arg6[%swap3A_1056, %swap3A_1057] : memref<4x128xi32, #tpu.memory_space<vmem>> -> memref<1x128xi32, #tpu.memory_space<vmem>>
      %swap3A_1059 = tpu.memref_squeeze %swap3A_1058 : memref<1x128xi32, #tpu.memory_space<vmem>> -> memref<128xi32, #tpu.memory_space<vmem>>
      %swap3A_1060 = arith.constant 112 : index
      %swap3A_1061 = tpu.vector_load %swap3A_1059[%swap3A_1060] {strides = array<i32>} : memref<128xi32, #tpu.memory_space<vmem>>, vector<16xi32>,
      %swap3A_1062 = vector.shape_cast %swap3A_1061 : vector<16xi32> to vector<16xi32>
      %swap3A_1063 = vector.shape_cast %select_n3A_1055 : vector<16xi32> to vector<16xi32>
      tpu.vector_store %swap3A_1059[%swap3A_1060], %swap3A_1063 {strides = array<i32>} : memref<128xi32, #tpu.memory_space<vmem>>, vector<16xi32>,
      %dma_start3A = arith.constant 0 : i32
      %dma_start3A_1064 = arith.constant 0 : i32
      %dma_start3A_1065 = arith.constant 0 : i32
      %dma_start3A_1066 = tpu.memref_slice %arg7[%dma_start3A_1064, %dma_start3A_1065] : memref<512x64xf32, #tpu.memory_space<vmem>> -> memref<128x64xf32, #tpu.memory_space<vmem>>
      %dma_start3A_1067 = arith.constant 0 : i32
      %dma_start3A_1068 = tpu.memref_slice %arg6[%dma_start3A, %dma_start3A_1067] : memref<4x128xi32, #tpu.memory_space<vmem>> -> memref<1x128xi32, #tpu.memory_space<vmem>>
      %dma_start3A_1069 = tpu.memref_squeeze %dma_start3A_1068 : memref<1x128xi32, #tpu.memory_space<vmem>> -> memref<128xi32, #tpu.memory_space<vmem>>
      %dma_start3A_1070 = arith.constant 0 : i32
      %dma_start3A_1071 = arith.constant 0 : i32
      %dma_start3A_1072 = tpu.memref_slice %arg4[%dma_start3A_1070, %dma_start3A_1071] : memref<1000001x64xf32, #tpu.memory_space<hbm>> -> memref<1000001x64xf32, #tpu.memory_space<hbm>>
      tpu.enqueue_indirect_dma source(%dma_start3A_1072 : memref<1000001x64xf32, #tpu.memory_space<hbm>>) target(%dma_start3A_1066 : memref<128x64xf32, #tpu.memory_space<vmem>>) offsets(%dma_start3A_1069 : memref<128xi32, #tpu.memory_space<vmem>>) semaphore(%arg9 : memref<!tpu.dma_semaphore, #tpu.memory_space<semaphore_mem>>)
      %dma_start3A_1073 = arith.constant 1 : i32
      %dma_start3A_1074 = arith.constant 128 : i32
      %dma_start3A_1075 = arith.constant 0 : i32
      %dma_start3A_1076 = tpu.memref_slice %arg7[%dma_start3A_1074, %dma_start3A_1075] : memref<512x64xf32, #tpu.memory_space<vmem>> -> memref<128x64xf32, #tpu.memory_space<vmem>>
      %dma_start3A_1077 = arith.constant 0 : i32
      %dma_start3A_1078 = tpu.memref_slice %arg6[%dma_start3A_1073, %dma_start3A_1077] : memref<4x128xi32, #tpu.memory_space<vmem>> -> memref<1x128xi32, #tpu.memory_space<vmem>>
      %dma_start3A_1079 = tpu.memref_squeeze %dma_start3A_1078 : memref<1x128xi32, #tpu.memory_space<vmem>> -> memref<128xi32, #tpu.memory_space<vmem>>
      %dma_start3A_1080 = arith.constant 0 : i32
      %dma_start3A_1081 = arith.constant 0 : i32
      %dma_start3A_1082 = tpu.memref_slice %arg4[%dma_start3A_1080, %dma_start3A_1081] : memref<1000001x64xf32, #tpu.memory_space<hbm>> -> memref<1000001x64xf32, #tpu.memory_space<hbm>>
      tpu.enqueue_indirect_dma source(%dma_start3A_1082 : memref<1000001x64xf32, #tpu.memory_space<hbm>>) target(%dma_start3A_1076 : memref<128x64xf32, #tpu.memory_space<vmem>>) offsets(%dma_start3A_1079 : memref<128xi32, #tpu.memory_space<vmem>>) semaphore(%arg9 : memref<!tpu.dma_semaphore, #tpu.memory_space<semaphore_mem>>)
      %dma_start3A_1083 = arith.constant 2 : i32
      %dma_start3A_1084 = arith.constant 256 : i32
      %dma_start3A_1085 = arith.constant 0 : i32
      %dma_start3A_1086 = tpu.memref_slice %arg7[%dma_start3A_1084, %dma_start3A_1085] : memref<512x64xf32, #tpu.memory_space<vmem>> -> memref<128x64xf32, #tpu.memory_space<vmem>>
      %dma_start3A_1087 = arith.constant 0 : i32
      %dma_start3A_1088 = tpu.memref_slice %arg6[%dma_start3A_1083, %dma_start3A_1087] : memref<4x128xi32, #tpu.memory_space<vmem>> -> memref<1x128xi32, #tpu.memory_space<vmem>>
      %dma_start3A_1089 = tpu.memref_squeeze %dma_start3A_1088 : memref<1x128xi32, #tpu.memory_space<vmem>> -> memref<128xi32, #tpu.memory_space<vmem>>
      %dma_start3A_1090 = arith.constant 0 : i32
      %dma_start3A_1091 = arith.constant 0 : i32
      %dma_start3A_1092 = tpu.memref_slice %arg4[%dma_start3A_1090, %dma_start3A_1091] : memref<1000001x64xf32, #tpu.memory_space<hbm>> -> memref<1000001x64xf32, #tpu.memory_space<hbm>>
      tpu.enqueue_indirect_dma source(%dma_start3A_1092 : memref<1000001x64xf32, #tpu.memory_space<hbm>>) target(%dma_start3A_1086 : memref<128x64xf32, #tpu.memory_space<vmem>>) offsets(%dma_start3A_1089 : memref<128xi32, #tpu.memory_space<vmem>>) semaphore(%arg9 : memref<!tpu.dma_semaphore, #tpu.memory_space<semaphore_mem>>)
      %dma_start3A_1093 = arith.constant 3 : i32
      %dma_start3A_1094 = arith.constant 384 : i32
      %dma_start3A_1095 = arith.constant 0 : i32
      %dma_start3A_1096 = tpu.memref_slice %arg7[%dma_start3A_1094, %dma_start3A_1095] : memref<512x64xf32, #tpu.memory_space<vmem>> -> memref<128x64xf32, #tpu.memory_space<vmem>>
      %dma_start3A_1097 = arith.constant 0 : i32
      %dma_start3A_1098 = tpu.memref_slice %arg6[%dma_start3A_1093, %dma_start3A_1097] : memref<4x128xi32, #tpu.memory_space<vmem>> -> memref<1x128xi32, #tpu.memory_space<vmem>>
      %dma_start3A_1099 = tpu.memref_squeeze %dma_start3A_1098 : memref<1x128xi32, #tpu.memory_space<vmem>> -> memref<128xi32, #tpu.memory_space<vmem>>
      %dma_start3A_1100 = arith.constant 0 : i32
      %dma_start3A_1101 = arith.constant 0 : i32
      %dma_start3A_1102 = tpu.memref_slice %arg4[%dma_start3A_1100, %dma_start3A_1101] : memref<1000001x64xf32, #tpu.memory_space<hbm>> -> memref<1000001x64xf32, #tpu.memory_space<hbm>>
      tpu.enqueue_indirect_dma source(%dma_start3A_1102 : memref<1000001x64xf32, #tpu.memory_space<hbm>>) target(%dma_start3A_1096 : memref<128x64xf32, #tpu.memory_space<vmem>>) offsets(%dma_start3A_1099 : memref<128xi32, #tpu.memory_space<vmem>>) semaphore(%arg9 : memref<!tpu.dma_semaphore, #tpu.memory_space<semaphore_mem>>)
      %dma_wait3A = arith.constant 0 : i32
      %dma_wait3A_1103 = arith.constant 0 : i32
      %dma_wait3A_1104 = arith.constant 0 : i32
      %dma_wait3A_1105 = tpu.memref_slice %arg7[%dma_wait3A_1103, %dma_wait3A_1104] : memref<512x64xf32, #tpu.memory_space<vmem>> -> memref<128x64xf32, #tpu.memory_space<vmem>>
      %dma_wait3A_1106 = arith.constant 0 : i32
      %dma_wait3A_1107 = tpu.memref_slice %arg6[%dma_wait3A, %dma_wait3A_1106] : memref<4x128xi32, #tpu.memory_space<vmem>> -> memref<1x128xi32, #tpu.memory_space<vmem>>
      %dma_wait3A_1108 = tpu.memref_squeeze %dma_wait3A_1107 : memref<1x128xi32, #tpu.memory_space<vmem>> -> memref<128xi32, #tpu.memory_space<vmem>>
      %dma_wait3A_1109 = arith.constant 0 : i32
      %dma_wait3A_1110 = arith.constant 0 : i32
      %dma_wait3A_1111 = tpu.memref_slice %arg4[%dma_wait3A_1109, %dma_wait3A_1110] : memref<1000001x64xf32, #tpu.memory_space<hbm>> -> memref<1000001x64xf32, #tpu.memory_space<hbm>>
      tpu.wait_indirect_dma semaphore(%arg9 : memref<!tpu.dma_semaphore, #tpu.memory_space<semaphore_mem>>) src(%dma_wait3A_1111 : memref<1000001x64xf32, #tpu.memory_space<hbm>>) dst(%dma_wait3A_1105 : memref<128x64xf32, #tpu.memory_space<vmem>>)
      %dma_wait3A_1112 = arith.constant 1 : i32
      %dma_wait3A_1113 = arith.constant 128 : i32
      %dma_wait3A_1114 = arith.constant 0 : i32
      %dma_wait3A_1115 = tpu.memref_slice %arg7[%dma_wait3A_1113, %dma_wait3A_1114] : memref<512x64xf32, #tpu.memory_space<vmem>> -> memref<128x64xf32, #tpu.memory_space<vmem>>
      %dma_wait3A_1116 = arith.constant 0 : i32
      %dma_wait3A_1117 = tpu.memref_slice %arg6[%dma_wait3A_1112, %dma_wait3A_1116] : memref<4x128xi32, #tpu.memory_space<vmem>> -> memref<1x128xi32, #tpu.memory_space<vmem>>
      %dma_wait3A_1118 = tpu.memref_squeeze %dma_wait3A_1117 : memref<1x128xi32, #tpu.memory_space<vmem>> -> memref<128xi32, #tpu.memory_space<vmem>>
      %dma_wait3A_1119 = arith.constant 0 : i32
      %dma_wait3A_1120 = arith.constant 0 : i32
      %dma_wait3A_1121 = tpu.memref_slice %arg4[%dma_wait3A_1119, %dma_wait3A_1120] : memref<1000001x64xf32, #tpu.memory_space<hbm>> -> memref<1000001x64xf32, #tpu.memory_space<hbm>>
      tpu.wait_indirect_dma semaphore(%arg9 : memref<!tpu.dma_semaphore, #tpu.memory_space<semaphore_mem>>) src(%dma_wait3A_1121 : memref<1000001x64xf32, #tpu.memory_space<hbm>>) dst(%dma_wait3A_1115 : memref<128x64xf32, #tpu.memory_space<vmem>>)
      %dma_wait3A_1122 = arith.constant 2 : i32
      %dma_wait3A_1123 = arith.constant 256 : i32
      %dma_wait3A_1124 = arith.constant 0 : i32
      %dma_wait3A_1125 = tpu.memref_slice %arg7[%dma_wait3A_1123, %dma_wait3A_1124] : memref<512x64xf32, #tpu.memory_space<vmem>> -> memref<128x64xf32, #tpu.memory_space<vmem>>
      %dma_wait3A_1126 = arith.constant 0 : i32
      %dma_wait3A_1127 = tpu.memref_slice %arg6[%dma_wait3A_1122, %dma_wait3A_1126] : memref<4x128xi32, #tpu.memory_space<vmem>> -> memref<1x128xi32, #tpu.memory_space<vmem>>
      %dma_wait3A_1128 = tpu.memref_squeeze %dma_wait3A_1127 : memref<1x128xi32, #tpu.memory_space<vmem>> -> memref<128xi32, #tpu.memory_space<vmem>>
      %dma_wait3A_1129 = arith.constant 0 : i32
      %dma_wait3A_1130 = arith.constant 0 : i32
      %dma_wait3A_1131 = tpu.memref_slice %arg4[%dma_wait3A_1129, %dma_wait3A_1130] : memref<1000001x64xf32, #tpu.memory_space<hbm>> -> memref<1000001x64xf32, #tpu.memory_space<hbm>>
      tpu.wait_indirect_dma semaphore(%arg9 : memref<!tpu.dma_semaphore, #tpu.memory_space<semaphore_mem>>) src(%dma_wait3A_1131 : memref<1000001x64xf32, #tpu.memory_space<hbm>>) dst(%dma_wait3A_1125 : memref<128x64xf32, #tpu.memory_space<vmem>>)
      %dma_wait3A_1132 = arith.constant 3 : i32
      %dma_wait3A_1133 = arith.constant 384 : i32
      %dma_wait3A_1134 = arith.constant 0 : i32
      %dma_wait3A_1135 = tpu.memref_slice %arg7[%dma_wait3A_1133, %dma_wait3A_1134] : memref<512x64xf32, #tpu.memory_space<vmem>> -> memref<128x64xf32, #tpu.memory_space<vmem>>
      %dma_wait3A_1136 = arith.constant 0 : i32
      %dma_wait3A_1137 = tpu.memref_slice %arg6[%dma_wait3A_1132, %dma_wait3A_1136] : memref<4x128xi32, #tpu.memory_space<vmem>> -> memref<1x128xi32, #tpu.memory_space<vmem>>
      %dma_wait3A_1138 = tpu.memref_squeeze %dma_wait3A_1137 : memref<1x128xi32, #tpu.memory_space<vmem>> -> memref<128xi32, #tpu.memory_space<vmem>>
      %dma_wait3A_1139 = arith.constant 0 : i32
      %dma_wait3A_1140 = arith.constant 0 : i32
      %dma_wait3A_1141 = tpu.memref_slice %arg4[%dma_wait3A_1139, %dma_wait3A_1140] : memref<1000001x64xf32, #tpu.memory_space<hbm>> -> memref<1000001x64xf32, #tpu.memory_space<hbm>>
      tpu.wait_indirect_dma semaphore(%arg9 : memref<!tpu.dma_semaphore, #tpu.memory_space<semaphore_mem>>) src(%dma_wait3A_1141 : memref<1000001x64xf32, #tpu.memory_space<hbm>>) dst(%dma_wait3A_1135 : memref<128x64xf32, #tpu.memory_space<vmem>>)
      %mul3A_1142 = arith.constant 128 : i32
      %mul3A_1143 = arith.muli %add3A_13, %mul3A_1142 : i32
      "tpu.region"() ({
        %run_scoped3A = tpu.sem_alloc : memref<!tpu.dma_semaphore, #tpu.memory_space<semaphore_mem>>
        %dma_start3A_1144 = arith.constant 0 : i32
        %dma_start3A_1145 = tpu.memref_slice %arg5[%mul3A_1143, %dma_start3A_1144] : memref<819200x64xf32, #tpu.memory_space<hbm>> -> memref<512x64xf32, #tpu.memory_space<hbm>>
        %dma_start3A_1146 = arith.constant 0 : i32
        %dma_start3A_1147 = tpu.memref_slice %arg5[%mul3A_1143, %dma_start3A_1146] : memref<819200x64xf32, #tpu.memory_space<hbm>> -> memref<512x64xf32, #tpu.memory_space<hbm>>
        tpu.enqueue_dma source(%arg7 : memref<512x64xf32, #tpu.memory_space<vmem>>) target(%dma_start3A_1147 : memref<512x64xf32, #tpu.memory_space<hbm>>) target_semaphore(%run_scoped3A : memref<!tpu.dma_semaphore, #tpu.memory_space<semaphore_mem>>)
        %dma_wait3A_1148 = arith.constant 0 : i32
        %dma_wait3A_1149 = tpu.memref_slice %arg5[%mul3A_1143, %dma_wait3A_1148] : memref<819200x64xf32, #tpu.memory_space<hbm>> -> memref<512x64xf32, #tpu.memory_space<hbm>>
        %dma_wait3A_1150 = arith.constant 0 : i32
        %dma_wait3A_1151 = tpu.memref_slice %arg5[%mul3A_1143, %dma_wait3A_1150] : memref<819200x64xf32, #tpu.memory_space<hbm>> -> memref<512x64xf32, #tpu.memory_space<hbm>>
        tpu.wait_dma2 semaphore(%run_scoped3A : memref<!tpu.dma_semaphore, #tpu.memory_space<semaphore_mem>>) src(%arg7 : memref<512x64xf32, #tpu.memory_space<vmem>>) dst(%dma_wait3A_1151 : memref<512x64xf32, #tpu.memory_space<hbm>>)
        tpu.yield
      }) : () -> ()
    }
    %scan3A_9 = arith.constant 50 : i32
    return
  }
}

</mosaic_0001>

<sc_bundles>
// kernel: kernel.3.cloned.1.call-start
scs
__scs_entry_jumppad:
0x0: {  	(pc) =	sbr.rel $0x88, $3  }
0x1: {  	(tag) =	ssettag $0x0;
	lr =	simm.s32 $0x1  }
0x2: {  	[smem:$0x3F9E] =	sst lr;
	_ =	strace $0xD0000000  }
0x3: {  	_ = 	snop  }
0x4: {  	_ = 	snop  }
0x5: {  	_ = 	snop  }
0x6: {  	_ = 	snop  }
0x7: {  	_ = 	snop  }
__scs_overlays_trampoline_lowered:
0x8: {  	[smem:$0x3FAD] =	sst s0  }
0x9: {  	[smem:$0x3FAE] =	sst s1  }
0xa: {  	[smem:$0x3FAF] =	sst s2  }
0xb: {  	[smem:$0x3FB0] =	sst s3  }
0xc: {  	[smem:$0x3FB1] =	sst s4  }
0xd: {  	[smem:$0x3FB2] =	sst s5  }
0xe: {  	[smem:$0x3FB3] =	sst s6  }
0xf: {  	[smem:$0x3FB4] =	sst s7  }
0x10: {  	[smem:$0x3FB5] =	sst s8  }
0x11: {  	[smem:$0x3FB6] =	sst s9;
	s0 =	simm.s32 @!p0 $0x0  }
0x12: {  	s1 =	sld [smem:$0x3F9C];
	s0 =	simm.s32 @p0 $0x1  }
0x13: {  	[smem:$0x3FB7] =	sst s0;
	s0 =	simm.s32 @!p1 $0x0  }
0x14: {  	s2 =	sld [smem:$0x3F9B];
	s0 =	simm.s32 @p1 $0x1  }
0x15: {  	[smem:$0x3FB8] =	sst s0;
	s0 =	simm.s32 @!p2 $0x0  }
0x16: {  	s3 =	sld [smem:$0x3FDB];
	s0 =	simm.s32 @p2 $0x1  }
0x17: {  	s4 =	simm.s32 $0x1BF5;
	[smem:$0x3FBA] =	sst s0  }
0x18: {  	s0 =	sld [smem:$0x3F9D];
	_ =	swait.ge [sflag:s4], $0x0  }
0x19: {  	s7 =	sld [smem:$0x3F9E]  }
0x1a: {  	s8 =	sadd.s32 $0xFFFFE003, lr  }
0x1b: {  	s9 =	sadd.s32 $0xFFFFFEF7, lr;
	s5 =	simm.s32 $0xFFFFFFFF;
	p2 =	slt.u32 s8, $0xFFFFF086  }
0x1c: {  	p1 =	slt.u32 s9, $0xF7A;
	s5 =	simm.s32 @!p2 $0x0  }
0x1d: {  	s5 =	simm.s32 @p1 $0x1;
	p0 =	seq.s32 s7, s2  }
0x1e: {  	s7 =	smul.u32 @!p0 $0xF7A, s2;
	p2 =	seq.s32 @!p0 s5, $0x0  }
0x1f: {  	s9 =	smul.u32 $0xF7A, s1;
	s8 =	simm.s32 @!p0 $0x1BF5;
	p2 =	por !p2, p0  }
0x20: {  	[sflag:s8] =	ssyncset.s32 @!p0 $0xFFFFF086;
	s6 =	sadd.s32 @!p0 s3, s7;
	s7 =	simm.s32 @!p0 $0x108  }
0x21: {  	s3 =	sadd.s32 s3, s9;
	s6 =	sadd.s32 @!p0 $0x88, s6;
	s7 =	simm.s32 @p2 $0x1082  }
0x22: {  	[simem:s7], [sflag:s8] =	dma.local @!p0 [hbm:s6], $0xF7A  }
0x23: {  	s9 =	sor.u32 $0xD0000000, s2;
	s6 =	simm.s32 $0x108;
	_ =	swait.ge @!p0 [sflag:s8], $0x0  }
0x24: {  	s3 =	sadd.s32 $0x88, s3;
	s6 =	simm.s32 @!p1 $0x1082;
	[sflag:s4] =	ssyncset.s32 $0xFFFFF086  }
0x25: {  	[simem:s6], [sflag:s4] =	dma.local [hbm:s3], $0xF7A  }
0x26: {  	[smem:$0x3F9E] =	sst s1;
	(tag) =	ssettag s2;
	_ =	strace s9  }
0x27: {  	s1 =	sld [smem:$0x3FAE]  }
0x28: {  	s2 =	sld [smem:$0x3FAF]  }
0x29: {  	s4 =	sld [smem:$0x3FB1]  }
0x2a: {  	p0 =	seq.s32 s5, $0x0;
	s5 =	sld [smem:$0x3FB2]  }
0x2b: {  	s6 =	sld [smem:$0x3FB3]  }
0x2c: {  	s7 =	sld [smem:$0x3FB4]  }
0x2d: {  	s3 =	simm.s32 $0x108;
	s8 =	sld [smem:$0x3FB5]  }
0x2e: {  	s3 =	simm.s32 @!p0 $0x1082;
	s9 =	sld [smem:$0x3FB6]  }
0x2f: {  	lr =	sadd.s32 s0, s3;
	s0 =	sld [smem:$0x3FAD]  }
0x30: {  	s3 =	sld [smem:$0x3FB0]  }
0x31: {  	[smem:$0x3FB9] =	sst s10  }
0x32: {  	s10 =	sld [smem:$0x3FB7];
	_ =	sdelay $0x3  }
0x33: {  	p0 =	seq.s32 s10, $0x1;
	s10 =	sld [smem:$0x3FB9];
	_ =	sdelay $0x3  }
0x34: {  	[smem:$0x3FB9] =	sst s10  }
0x35: {  	s10 =	sld [smem:$0x3FB8];
	_ =	sdelay $0x3  }
0x36: {  	p1 =	seq.s32 s10, $0x1;
	s10 =	sld [smem:$0x3FB9];
	_ =	sdelay $0x3  }
0x37: {  	[smem:$0x3FB9] =	sst s10  }
0x38: {  	s10 =	sld [smem:$0x3FBA]  }
0x39: {  	_ = 	snop;
	(pc) =	sbr.ind lr, $3  }
0x3a: {  	_ = 	snop  }
0x3b: {  	_ = 	snop  }
0x3c: {  	p2 =	seq.s32 s10, $0x1;
	s10 =	sld [smem:$0x3FB9]  }
0x3d: {  	_ =	shalt  }
0x3e: {  	_ =	shalt  }
0x3f: {  	_ =	shalt  }
0x40: {  	_ =	shalt  }
0x41: {  	_ =	shalt  }
0x42: {  	_ =	shalt  }
0x43: {  	_ =	shalt  }
0x44: {  	_ =	shalt  }
0x45: {  	_ =	shalt  }
0x46: {  	_ =	shalt  }
0x47: {  	_ =	shalt  }
0x48: {  	_ =	shalt  }
0x49: {  	_ =	shalt  }
0x4a: {  	_ =	shalt  }
0x4b: {  	_ =	shalt  }
0x4c: {  	_ =	shalt  }
0x4d: {  	_ =	shalt  }
0x4e: {  	_ =	shalt  }
0x4f: {  	_ =	shalt  }
0x50: {  	_ =	shalt  }
0x51: {  	_ =	shalt  }
0x52: {  	_ =	shalt  }
0x53: {  	_ =	shalt  }
0x54: {  	_ =	shalt  }
0x55: {  	_ =	shalt  }
0x56: {  	_ =	shalt  }
0x57: {  	_ =	shalt  }
0x58: {  	_ =	shalt  }
0x59: {  	_ =	shalt  }
0x5a: {  	_ =	shalt  }
0x5b: {  	_ =	shalt  }
0x5c: {  	_ =	shalt  }
0x5d: {  	_ =	shalt  }
0x5e: {  	_ =	shalt  }
0x5f: {  	_ =	shalt  }
0x60: {  	_ =	shalt  }
0x61: {  	_ =	shalt  }
0x62: {  	_ =	shalt  }
0x63: {  	_ =	shalt  }
0x64: {  	_ =	shalt  }
0x65: {  	_ =	shalt  }
0x66: {  	_ =	shalt  }
0x67: {  	_ =	shalt  }
0x68: {  	_ =	shalt  }
0x69: {  	_ =	shalt  }
0x6a: {  	_ =	shalt  }
0x6b: {  	_ =	shalt  }
0x6c: {  	_ =	shalt  }
0x6d: {  	_ =	shalt  }
0x6e: {  	_ =	shalt  }
0x6f: {  	_ =	shalt  }
0x70: {  	_ =	shalt  }
0x71: {  	_ =	shalt  }
0x72: {  	_ =	shalt  }
0x73: {  	_ =	shalt  }
0x74: {  	_ =	shalt  }
0x75: {  	_ =	shalt  }
0x76: {  	_ =	shalt  }
0x77: {  	_ =	shalt  }
0x78: {  	_ =	shalt  }
0x79: {  	_ =	shalt  }
0x7a: {  	_ =	shalt  }
0x7b: {  	_ =	shalt  }
0x7c: {  	_ =	shalt  }
0x7d: {  	_ =	shalt  }
0x7e: {  	_ =	shalt  }
0x7f: {  	_ =	shalt  }
0x80: {  	_ =	shalt  }
0x81: {  	_ =	shalt  }
0x82: {  	_ =	shalt  }
0x83: {  	_ =	shalt  }
0x84: {  	_ =	shalt  }
0x85: {  	_ =	shalt  }
0x86: {  	_ =	shalt  }
0x87: {  	_ =	shalt  }
.Lfunc_end0:
.L_simem_size_0:
called_computation.1_lowered:
.L_overlay_start_0:
0x88: {  	s2 =	sld [smem:$0x3FD9]  }
0x89: {  	s3 =	sld [smem:$0x3FFE];
	_ =	sdelay $0x1  }
0x8a: {  	s1 =	srdreg.scid  }
0x8b: {  	s0 =	sand.u32 $0x1, s1  }
0x8c: {  	s17 =	sshll.u32 s0, $0xA;
	s2 =	sadd.s32 s3, s2  }
0x8d: {  	s2 =	sadd.s32 s2, s17  }
0x8e: {  	[smem:$0x3FC5] =	sst s2  }
0x8f: {  	_ = 	snop  }
0x90: {  	s2 =	sld [smem:$0x3FD0];
	(tm) =	ssettm $0x1  }
0x91: {  	s18 =	sld [smem:$0x3FFB];
	_ =	sdelay $0x3  }
0x92: {  	_ =	strace s18  }
0x93: {  	s3 =	sld [smem:$0x3FFC];
	_ =	sdelay $0x3  }
0x94: {  	_ =	strace s3  }
0x95: {  	s3 =	sld [smem:$0x3FFD];
	_ =	sdelay $0x3  }
0x96: {  	_ =	strace s3  }
0x97: {  	_ =	strace $0x8FFFFFFF  }
0x98: {  	s19 =	sld [smem:$0x3FDB];
	_ =	sdelay $0x1  }
0x99: {  	s4 =	simm.s32 $_scs_section_size  }
0x9a: {  	s5 =	simm.s32 $_size__tile_overlayer_lowered;
	s6 =	simm.s32 $_tile_overlayer_lowered  }
0x9b: {  	s22 =	simm.s32 $0x1BFF;
	s21 =	sshll.u32 s6, $0x1;
	s3 =	sadd.s32 s4, s19  }
0x9c: {  	s7 =	simm.s32 $0x0;
	s20 =	sshll.u32 s5, $0x1;
	s5 =	sadd.s32 s21, s3  }
0x9d: {  	[timem:s7], [sflag:s22] =	dma.local [hbm:s5], s20  }
0x9e: {  	_ =	swait.ge [sflag:s22], s20  }
0x9f: {  	s4 =	ssub.s32 $0x0, s20;
	[sflag:s22] =	ssyncset.done $0x0  }
0xa0: {  	[sflag:s22] =	ssyncadd.s32 s4;
	_ =	sdelay $0x1  }
0xa1: {  	s23 =	simm.s32 $0x1B8B  }
0xa2: {  	_ =	swait.ge [sflag:s23], $0x1  }
0xa3: {  	[sflag:s23] =	ssyncset.done $0x0  }
0xa4: {  	s25 =	simm.s32 $0x1B8E;
	s24 =	sld [smem:$0x3FFE];
	[sflag:s23] =	ssyncadd.s32 $0xFFFFFFFF  }
0xa5: {  	s26 =	simm.s32 $execute0_lowered;
	[smem:$0x3FD2] =	sst s25  }
0xa6: {  	s5 =	sshll.u32 s26, $0x1;
	_ =	strace $0x80000046;
	[dreg:$0x1] =	wrdreg $0xFFFFFFFF  }
0xa7: {  	s28 =	simm.s32 $_size_execute0_lowered;
	s3 =	sadd.s32 s3, s5;
	[dreg:$0x0] =	wrdreg $0x0  }
0xa8: {  	s5 =	sshll.u32 s28, $0x1;
	[dreg:$0x2] =	wrdreg s3  }
0xa9: {  	[dreg:$0x3] =	wrdreg s5  }
0xaa: {  	[dreg:$0x4] =	wrdreg $0xC0  }
0xab: {  	_ =	task [dreg:s7], $0x5FFFF  }
0xac: {  	[dreg:$0x1] =	wrdreg $0xFFFFFFFF  }
0xad: {  	[dreg:$0x0] =	wrdreg $0x60  }
0xae: {  	[dreg:$0x2] =	wrdreg s24  }
0xaf: {  	[dreg:$0x3] =	wrdreg s2  }
0xb0: {  	[dreg:$0x4] =	wrdreg $0x9  }
0xb1: {  	_ =	task.clear_ibuf [dreg:s7], $0x5FFFF;
	_ =	strace $0x90000046  }
0xb2: {  	s29 =	simm.s32 $0x9;
	_ =	strace $0x80000048  }
0xb3: {  	_ =	swait.ge [sflag:s29], $0x1  }
0xb4: {  	[sflag:s29] =	ssyncadd.s32 $0xFFFFFFFF  }
0xb5: {  	_ =	strace $0x90000048  }
0xb6: {  	_ =	sfence  }
0xb7: {  	s30 =	sld [smem:$0x0];
	_ =	sdelay $0x2  }
0xb8: {  	s31 =	sshll.u32 s1, $0xD;
	s1 =	sshrl.u32 s1, $0x2  }
0xb9: {  	s3 =	sand.u32 $0x4000, s31;
	s1 =	sadd.s32 s1, s30  }
0xba: {  	s0 =	sor.u32 s3, s0;
	s1 =	sshll.u32 s1, $0x11  }
0xbb: {  	s0 =	sor.u32 s1, s0  }
0xbc: {  	s0 =	sadd.s32 $0x8F2B, s0  }
0xbd: {  	[sflag:s0] =	ssyncadd.remote.s32 $0x1  }
0xbe: {  	_ =	sfence.sel $0xFFFF  }
0xbf: {  	[dreg:$0x0] =	wrdreg $0xFFFFFFFF;
	(pc) =	sbr.abs _section_cstart, $3  }
0xc0: {  	[dreg:$0x1] =	wrdreg $0xFFFFFFFF  }
0xc1: {  	_ =	task.clear_ibuf [dreg:s7], $0x2FFFF;
	_ =	strace $0x9FFFFFFF  }
0xc2: {  	(tm) =	ssettm $0x7FFFFFFF  }
0xc3: {  	_ =	shalt  }
tec
execute0_lowered:
.L_overlay_start_1:
0x0: {  	(tag) =	ssettag $0x1  }
0x1: {  	s4 =	rddreg [dreg:$0x0]  }
0x2: {  	s7 =	rddreg [dreg:$0x1]  }
0x3: {  	s0 =	rddreg [dreg:$0x2];
	s2 =	simm.s32 $0x0;
	s1 =	stileid.u32  }
0x4: {  	s3 =	srdreg.scid;
	s26 =	simm.s32 $0x2200;
	s28 =	simm.s32 $0x100  }
0x5: {  	s29 =	simm.s32 $0x4200;
	s30 =	simm.s32 $0x180;
	s31 =	simm.s32 $0x6200  }
0x6: {  	s13 =	simm.s32 $0x0;
	[smem:$0x7FF] =	sst s2;
	s5 =	smul.u32 $0x1900, s1  }
0x7: {  	s10 =	smul.u32 $0x64000, s1;
	_ =	strace $0x80000047;
	[dreg:$0x4] =	wrdreg s26  }
0x8: {  	s6 =	sand.u32 $0x1, s3;
	s12 =	smul.u32 $0xC800, s1;
	[dreg:$0x6] =	wrdreg s28  }
0x9: {  	s3 =	sadd.s32 $0x19A00, s4;
	s8 =	smul.u32 $0xC80, s6;
	[dreg:$0x5] =	wrdreg s29  }
0xa: {  	s22 =	ssub.s32 $0x2, s6;
	s23 =	smul.u32 $0x6400, s6;
	[dreg:$0x8] =	wrdreg s30  }
0xb: {  	s24 =	smul.u32 $0x32000, s6;
	[dreg:$0x7] =	wrdreg s31;
	s9 =	sadd.s32 s5, s4  }
0xc: {  	s11 =	sshrl.u32 s22, $0x1;
	s4 =	sadd.s32 $0xF43000, s4;
	s7 =	sadd.s32 s10, s7  }
0xd: {  	s10 =	simm.s32 $0x80;
	s5 =	ssub.s32 s22, s11;
	s8 =	sadd.s32 s8, s9  }
0xe: {  	s25 =	sadd.s32 s23, s12;
	s7 =	sadd.s32 s24, s7;
	s9 =	simm.s32 $0x2  }
0xf: {  	s11 =	simm.s32 $0x200;
	s12 =	simm.s32 $0x1;
	s5 =	smax.u32 s5, $0x1  }
0x10: {  	v0 =	vlaneseq.u32;
	s6 =	sadd.s32 $0xA00, s8;
	[dreg:$0x3] =	wrdreg s25;
	s8 =	simm.s32 $0x8200  }
.LBB2_1:
0x11: {  	[tilespmem:s8], [sflag:$0x2] =	stream.linear.gather [hbm4b:s3+s2], $0x10, $0x38;
	[tilespmem:$0x8210] =	vst v63  }
0x12: {  	_ =	swait.ge [sflag:s9], $0x10  }
0x13: {  	[sflag:s9] =	ssyncset.done $0x0  }
0x14: {  	[sflag:s9] =	ssyncadd.s32 $0xFFFFFFF0  }
0x15: {  	s14 =	smov.u32 s7;
	s15 =	smov.u32 s6;
	s16 =	simm.s32 $0x0;
	v1 =	vld [tilespmem:$0x8200]  }
.LBB2_2:
0x16: {  	s17 =	rddreg [dreg:$0x3]  }
0x17: {  	[tilespmem:s2], [sflag:$0x2] =	stream.linear.gather [hbm4b:s15+s2], $0x200, $0x38;
	[tilespmem:$0x8210] =	vst v63  }
0x18: {  	s17 =	sadd.s32 s16, s17  }
0x19: {  	v2 =	vor.u32 s17, v0;
	s18 =	sadd.s32 $0x10, s17  }
0x1a: {  	s23 =	sadd.s32 $0x20, s17;
	v3 =	vmulhi.u32 $0x51EB851F, v2;
	v5 =	vor.u32 s18, v0  }
0x1b: {  	s24 =	sadd.s32 $0x30, s17;
	v7 =	vor.u32 s23, v0;
	v6 =	vmulhi.u32 $0x51EB851F, v5  }
0x1c: {  	s25 =	sadd.s32 $0x40, s17;
	v22 =	vor.u32 s24, v0;
	v8 =	vmulhi.u32 $0x51EB851F, v7  }
0x1d: {  	s26 =	sadd.s32 $0x50, s17;
	v26 =	vor.u32 s25, v0;
	v23 =	vmulhi.u32 $0x51EB851F, v22  }
0x1e: {  	s28 =	sadd.s32 $0x60, s17;
	v10 =	vor.u32 s26, v0;
	v27 =	vmulhi.u32 $0x51EB851F, v26  }
0x1f: {  	s29 =	sadd.s32 $0x70, s17;
	v32 =	vor.u32 s28, v0;
	v13 =	vmulhi.u32 $0x51EB851F, v10  }
0x20: {  	_ =	swait.ge [sflag:s9], $0x200;
	s30 =	sadd.s32 $0x80, s17;
	v36 =	vor.u32 s29, v0;
	v34 =	vmulhi.u32 $0x51EB851F, v32  }
0x21: {  	[sflag:s9] =	ssyncset.done $0x0;
	s31 =	sadd.s32 $0x90, s17;
	v39 =	vor.u32 s30, v0;
	v38 =	vmulhi.u32 $0x51EB851F, v36  }
0x22: {  	s19 =	sadd.s32 $0xA0, s17;
	[sflag:s9] =	ssyncadd.s32 $0xFFFFFE00;
	v46 =	vor.u32 s31, v0;
	v15 =	vmulhi.u32 $0x51EB851F, v39  }
0x23: {  	s20 =	sadd.s32 $0xB0, s17;
	s21 =	sadd.s32 $0xC0, s17;
	v50 =	vor.u32 s19, v0;
	v4 =	vld [tilespmem:$0x0];
	v48 =	vmulhi.u32 $0x51EB851F, v46  }
0x24: {  	s22 =	sadd.s32 $0xD0, s17;
	v17 =	vor.u32 s20, v0;
	v58 =	vor.u32 s21, v0;
	v9 =	vld [tilespmem:$0x10];
	v53 =	vmulhi.u32 $0x51EB851F, v50  }
0x25: {  	v63 =	vor.u32 s22, v0;
	v21 =	vld [tilespmem:$0x20];
	v59 =	vmulhi.u32 $0x51EB851F, v58;
	v3 =	vshrl.u32 v3, $0x6  }
0x26: {  	v25 =	vld [tilespmem:$0x30];
	v3 =	vmul.u32 $0xC8, v3;
	v6 =	vshrl.u32 v6, $0x6;
	v20 =	vshrl.u32 v8, $0x6  }
0x27: {  	v31 =	vld [tilespmem:$0x50];
	v29 =	vshrl.u32 v13, $0x6;
	v37 =	vshrl.u32 v34, $0x6;
	v40 =	vshrl.u32 v38, $0x6  }
0x28: {  	s30 =	sadd.s32 $0x140, s17;
	s20 =	sadd.s32 $0x170, s17;
	v35 =	vld [tilespmem:$0x60];
	v41 =	vshrl.u32 v15, $0x6;
	v52 =	vshrl.u32 v48, $0x6;
	v54 =	vshrl.u32 v53, $0x6  }
0x29: {  	s25 =	sadd.s32 $0x100, s17;
	v16 =	vld [tilespmem:$0x70];
	v62 =	vshrl.u32 v59, $0x6;
	v48 =	vor.u32 s30, v0;
	v59 =	vor.u32 s20, v0  }
0x2a: {  	v51 =	vld [tilespmem:$0x90];
	v14 =	vmul.u32 $0xC8, v37;
	v37 =	vor.u32 s25, v0;
	v2 =	vsub.s32 v2, v3  }
0x2b: {  	v19 =	vld [tilespmem:$0xA0];
	v3 =	vmul.u32 $0xC8, v6;
	v6 =	vmul.u32 $0xC8, v20;
	v20 =	vmulhi.u32 $0x51EB851F, v17  }
0x2c: {  	v55 =	vld [tilespmem:$0xB0];
	v44 =	vmul.u32 $0xC8, v41;
	v18 =	vmul.u32 $0xC8, v52;
	v38 =	vmulhi.u32 $0x51EB851F, v37  }
0x2d: {  	v61 =	vld [tilespmem:$0xC0];
	vm0 =	vlt.s32 v2, v1;
	v2 =	vadd.s32 $0x1, v4;
	v24 =	vadd.s32 $0x1, v9  }
0x2e: {  	v11 =	vadd.s32 $0x1, v21;
	v30 =	vadd.s32 $0x1, v25;
	v8 =	vadd.s32 $0x1, v31  }
0x2f: {  	v9 =	vsub.s32 v32, v14;
	v42 =	vadd.s32 $0x1, v35;
	v47 =	vsub.s32 v39, v44  }
0x30: {  	s24 =	sadd.s32 $0xF0, s17;
	v49 =	vadd.s32 $0x1, v16;
	v15 =	vadd.s32 $0x1, v51;
	v60 =	vadd.s32 $0x1, v19  }
0x31: {  	v28 =	vld [tilespmem:$0x40];
	v13 =	vadd.s32 $0x1, v55;
	v25 =	vmulhi.u32 $0x51EB851F, v63;
	v21 =	vor.u32 s24, v0  }
0x32: {  	v31 =	vadd.s32 $0x1, v61;
	v61 =	vmulhi.u32 $0x51EB851F, v59;
	v2 =	vnsel vm0, $0x0, v2  }
0x33: {  	s24 =	sadd.s32 $0x1B0, s17;
	v3 =	vsub.s32 v5, v3;
	vm15 =	vlt.s32 v9, v1;
	vm5 =	vlt.s32 v47, v1  }
0x34: {  	v56 =	vshrl.u32 v20, $0x6;
	v19 =	vshrl.u32 v38, $0x6;
	v38 =	vor.u32 s24, v0  }
0x35: {  	vm11 =	vlt.s32 v3, v1;
	v3 =	vsub.s32 v7, v6;
	v6 =	vshrl.u32 v27, $0x6  }
0x36: {  	v32 =	vld [tilespmem:$0xE0];
	v7 =	vadd.s32 $0x1, v28;
	v57 =	vmul.u32 $0xC8, v56;
	v28 =	vshrl.u32 v25, $0x6  }
0x37: {  	v51 =	vld [tilespmem:$0x140];
	v19 =	vmul.u32 $0xC8, v19;
	vm1 =	vlt.s32 v3, v1;
	v3 =	vshrl.u32 v23, $0x6  }
0x38: {  	s28 =	sadd.s32 $0x120, s17;
	v4 =	vnsel vm11, $0x0, v24;
	v6 =	vmul.u32 $0xC8, v6;
	v24 =	vmul.u32 $0xC8, v62  }
0x39: {  	s23 =	sadd.s32 $0xE0, s17;
	v43 =	vld [tilespmem:$0x80];
	v23 =	vor.u32 s28, v0;
	v12 =	vmul.u32 $0xC8, v3;
	v3 =	vnsel vm1, $0x0, v11  }
0x3a: {  	v11 =	vmul.u32 $0xC8, v29;
	v29 =	vor.u32 s23, v0;
	v19 =	vsub.s32 v37, v19  }
0x3b: {  	s29 =	sadd.s32 $0x130, s17;
	v44 =	vmulhi.u32 $0x51EB851F, v23;
	v6 =	vsub.s32 v26, v6;
	v26 =	vsub.s32 v58, v24  }
0x3c: {  	v39 =	vadd.s32 $0x1, v32;
	v24 =	vor.u32 s29, v0;
	v56 =	vadd.s32 $0x1, v51  }
0x3d: {  	v41 =	vld [tilespmem:$0x100];
	v5 =	vsub.s32 v22, v12;
	vm13 =	vlt.s32 v6, v1;
	v33 =	vsub.s32 v10, v11  }
0x3e: {  	v27 =	vld [tilespmem:$0xD0];
	v10 =	vmul.u32 $0xC8, v40;
	v11 =	vadd.s32 $0x1, v43;
	v12 =	vsub.s32 v46, v18  }
0x3f: {  	s31 =	sadd.s32 $0x150, s17;
	v18 =	vmul.u32 $0xC8, v28;
	vm8 =	vlt.s32 v26, v1;
	v22 =	vmulhi.u32 $0x51EB851F, v21  }
0x40: {  	v25 =	vmulhi.u32 $0x51EB851F, v24;
	v26 =	vor.u32 s31, v0;
	vm12 =	vlt.s32 v5, v1  }
0x41: {  	vm14 =	vlt.s32 v33, v1;
	v7 =	vnsel vm13, $0x0, v7;
	v9 =	vnsel vm5, $0x0, v11  }
0x42: {  	v35 =	vld [tilespmem:$0xF0];
	v11 =	vmul.u32 $0xC8, v54;
	vm6 =	vlt.s32 v12, v1;
	v12 =	vsub.s32 v17, v57  }
0x43: {  	s19 =	sadd.s32 $0x160, s17;
	v16 =	vadd.s32 $0x1, v27;
	v17 =	vadd.s32 $0x1, v41;
	v27 =	vmulhi.u32 $0x51EB851F, v26  }
0x44: {  	v54 =	vor.u32 s19, v0;
	v5 =	vnsel vm12, $0x0, v30;
	v6 =	vnsel vm14, $0x0, v8  }
0x45: {  	v8 =	vnsel vm15, $0x0, v42;
	v45 =	vsub.s32 v36, v10;
	vm2 =	vlt.s32 v12, v1  }
0x46: {  	s26 =	sadd.s32 $0x110, s17;
	v37 =	vld [tilespmem:$0x1A0];
	v15 =	vnsel vm6, $0x0, v15;
	v30 =	vmulhi.u32 $0x51EB851F, v29;
	v14 =	vsub.s32 v63, v18  }
0x47: {  	v36 =	vshrl.u32 v22, $0x6;
	v42 =	vor.u32 s26, v0;
	v18 =	vadd.s32 $0x1, v35  }
0x48: {  	vm12 =	vlt.s32 v19, v1;
	v22 =	vshrl.u32 v44, $0x6;
	v47 =	vshrl.u32 v25, $0x6  }
0x49: {  	vm4 =	vlt.s32 v45, v1;
	v11 =	vsub.s32 v50, v11;
	vm9 =	vlt.s32 v14, v1  }
0x4a: {  	v20 =	vmul.u32 $0xC8, v36;
	v43 =	vmulhi.u32 $0x51EB851F, v42;
	v17 =	vnsel vm12, $0x0, v17  }
0x4b: {  	v52 =	vld [tilespmem:$0x150];
	v22 =	vmul.u32 $0xC8, v22;
	v27 =	vshrl.u32 v27, $0x6;
	v44 =	vadd.s32 $0x1, v37  }
0x4c: {  	v28 =	vld [tilespmem:$0x180];
	v10 =	vnsel vm4, $0x0, v49;
	vm7 =	vlt.s32 v11, v1;
	v11 =	vnsel vm2, $0x0, v13  }
0x4d: {  	s22 =	sadd.s32 $0x190, s17;
	v13 =	vnsel vm8, $0x0, v31;
	v33 =	vshrl.u32 v30, $0x6;
	v16 =	vnsel vm9, $0x0, v16  }
0x4e: {  	v49 =	vmulhi.u32 $0x51EB851F, v48;
	v53 =	vmul.u32 $0xC8, v27;
	v30 =	vor.u32 s22, v0  }
0x4f: {  	v12 =	vnsel vm7, $0x0, v60;
	v34 =	vmul.u32 $0xC8, v33;
	v40 =	vsub.s32 v21, v20  }
0x50: {  	v63 =	vld [tilespmem:$0x170];
	v21 =	vshrl.u32 v43, $0x6;
	v22 =	vsub.s32 v23, v22;
	v60 =	vadd.s32 $0x1, v52  }
0x51: {  	v46 =	vld [tilespmem:$0x120];
	[tilespmem:$0x80] =	vst v9;
	v32 =	vmulhi.u32 $0x51EB851F, v30;
	v9 =	vadd.s32 $0x1, v28;
	vm11 =	vlt.s32 v40, v1  }
0x52: {  	s25 =	sadd.s32 $0x1C0, s17;
	v45 =	vld [tilespmem:$0x110];
	v21 =	vmul.u32 $0xC8, v21;
	vm14 =	vlt.s32 v22, v1;
	v23 =	vshrl.u32 v49, $0x6  }
0x53: {  	v50 =	vld [tilespmem:$0x130];
	v57 =	vsub.s32 v26, v53;
	v26 =	vshrl.u32 v61, $0x6;
	v40 =	vor.u32 s25, v0  }
0x54: {  	v14 =	vsub.s32 v29, v34;
	v18 =	vnsel vm11, $0x0, v18;
	v23 =	vmul.u32 $0xC8, v23  }
0x55: {  	s23 =	sadd.s32 $0x1A0, s17;
	[tilespmem:$0x60] =	vst v8;
	vm5 =	vlt.s32 v57, v1;
	v8 =	vmul.u32 $0xC8, v26;
	v33 =	vadd.s32 $0x1, v63  }
0x56: {  	[tilespmem:$0x70] =	vst v10;
	v34 =	vor.u32 s23, v0;
	v10 =	vshrl.u32 v32, $0x6;
	vm10 =	vlt.s32 v14, v1  }
0x57: {  	[tilespmem:$0x0] =	vst v2;
	v20 =	vsub.s32 v42, v21;
	v19 =	vadd.s32 $0x1, v45;
	v21 =	vadd.s32 $0x1, v46  }
0x58: {  	[tilespmem:$0x10] =	vst v4;
	s26 =	sadd.s32 $0x1D0, s17;
	v55 =	vadd.s32 $0x1, v50;
	v62 =	vnsel vm5, $0x0, v60;
	v35 =	vmulhi.u32 $0x51EB851F, v34  }
0x59: {  	[tilespmem:$0x20] =	vst v3;
	v10 =	vmul.u32 $0xC8, v10;
	v42 =	vmulhi.u32 $0x51EB851F, v40;
	v46 =	vor.u32 s26, v0  }
0x5a: {  	[tilespmem:$0x40] =	vst v7;
	v14 =	vnsel vm10, $0x0, v39;
	vm13 =	vlt.s32 v20, v1;
	v20 =	vmul.u32 $0xC8, v47  }
0x5b: {  	[tilespmem:$0x30] =	vst v5;
	v21 =	vnsel vm14, $0x0, v21;
	v2 =	vsub.s32 v48, v23;
	v39 =	vmulhi.u32 $0x51EB851F, v38  }
0x5c: {  	[tilespmem:$0x50] =	vst v6;
	v5 =	vsub.s32 v59, v8;
	v48 =	vmulhi.u32 $0x51EB851F, v46;
	v19 =	vnsel vm13, $0x0, v19  }
0x5d: {  	[tilespmem:$0xB0] =	vst v11;
	vm4 =	vlt.s32 v2, v1;
	v2 =	vmulhi.u32 $0x51EB851F, v54;
	vm7 =	vlt.s32 v5, v1  }
0x5e: {  	s21 =	sadd.s32 $0x180, s17;
	v11 =	vshrl.u32 v35, $0x6;
	[tilespmem:$0xE0] =	vst v14;
	v10 =	vsub.s32 v30, v10;
	v14 =	vshrl.u32 v42, $0x6  }
0x5f: {  	[tilespmem:$0x90] =	vst v15;
	v20 =	vsub.s32 v24, v20;
	v4 =	vnsel vm4, $0x0, v56;
	v24 =	vor.u32 s21, v0  }
0x60: {  	[tilespmem:$0x100] =	vst v17;
	v45 =	vld [tilespmem:$0x1B0];
	v5 =	vnsel vm7, $0x0, v33;
	v11 =	vmul.u32 $0xC8, v11;
	vm9 =	vlt.s32 v10, v1  }
0x61: {  	s28 =	sadd.s32 $0x1E0, s17;
	s17 =	sadd.s32 $0x1F0, s17;
	[tilespmem:$0xC0] =	vst v13;
	v41 =	vshrl.u32 v39, $0x6;
	v47 =	vmul.u32 $0xC8, v14;
	v53 =	vshrl.u32 v48, $0x6  }
0x62: {  	[tilespmem:$0xD0] =	vst v16;
	v52 =	vld [tilespmem:$0x1D0];
	v56 =	vor.u32 s17, v0;
	vm15 =	vlt.s32 v20, v1;
	v27 =	vmulhi.u32 $0x51EB851F, v24  }
0x63: {  	v58 =	vld [tilespmem:$0x160];
	[tilespmem:$0xA0] =	vst v12;
	v2 =	vshrl.u32 v2, $0x6;
	v43 =	vmul.u32 $0xC8, v41;
	v59 =	vmulhi.u32 $0x51EB851F, v56  }
0x64: {  	[tilespmem:$0xF0] =	vst v18;
	v3 =	vnsel vm15, $0x0, v55;
	v2 =	vmul.u32 $0xC8, v2;
	v7 =	vsub.s32 v34, v11  }
0x65: {  	[tilespmem:$0x150] =	vst v62;
	v51 =	vsub.s32 v40, v47;
	v57 =	vadd.s32 $0x1, v45;
	v29 =	vshrl.u32 v27, $0x6  }
0x66: {  	vm10 =	vlt.s32 v7, v1;
	[tilespmem:$0x130] =	vst v3;
	v3 =	vsub.s32 v38, v43;
	vm12 =	vlt.s32 v51, v1  }
0x67: {  	v36 =	vld [tilespmem:$0x190];
	[tilespmem:$0x120] =	vst v21;
	v62 =	vshrl.u32 v59, $0x6;
	v7 =	vadd.s32 $0x1, v52;
	v2 =	vsub.s32 v54, v2  }
0x68: {  	[tilespmem:$0x110] =	vst v19;
	v31 =	vmul.u32 $0xC8, v29;
	vm6 =	vlt.s32 v2, v1;
	v2 =	vadd.s32 $0x1, v58  }
0x69: {  	[tilespmem:$0x140] =	vst v4;
	vm11 =	vlt.s32 v3, v1;
	v3 =	vld [tilespmem:$0x1C0];
	v54 =	vor.u32 s28, v0;
	v2 =	vnsel vm6, $0x0, v2  }
0x6a: {  	v55 =	vmulhi.u32 $0x51EB851F, v54;
	v8 =	vsub.s32 v24, v31;
	[tilespmem:$0x160] =	vst v2;
	v2 =	vmul.u32 $0xC8, v53  }
0x6b: {  	[tilespmem:$0x170] =	vst v5;
	v50 =	vnsel vm10, $0x0, v44;
	v58 =	vld [tilespmem:$0x1E0];
	v5 =	vnsel vm11, $0x0, v57;
	vm8 =	vlt.s32 v8, v1  }
0x6c: {  	v61 =	vld [tilespmem:$0x1F0];
	[tilespmem:$0x1A0] =	vst v50;
	v8 =	vadd.s32 $0x1, v36;
	v60 =	vshrl.u32 v55, $0x6;
	v2 =	vsub.s32 v46, v2  }
0x6d: {  	[tilespmem:$0x1B0] =	vst v5;
	v9 =	vnsel vm8, $0x0, v9;
	vm13 =	vlt.s32 v2, v1;
	v2 =	vmul.u32 $0xC8, v60  }
0x6e: {  	v4 =	vmul.u32 $0xC8, v62;
	v49 =	vnsel vm9, $0x0, v8;
	[tilespmem:$0x180] =	vst v9;
	v3 =	vadd.s32 $0x1, v3  }
0x6f: {  	[tilespmem:$0x190] =	vst v49;
	v3 =	vnsel vm12, $0x0, v3;
	v63 =	vnsel vm13, $0x0, v7;
	v2 =	vsub.s32 v54, v2  }
0x70: {  	[tilespmem:$0x1C0] =	vst v3;
	v3 =	vadd.s32 $0x1, v58;
	vm14 =	vlt.s32 v2, v1;
	v2 =	vsub.s32 v56, v4  }
0x71: {  	[tilespmem:$0x1D0] =	vst v63;
	v3 =	vnsel vm14, $0x0, v3;
	vm15 =	vlt.s32 v2, v1;
	v2 =	vadd.s32 $0x1, v61  }
0x72: {  	s30 =	rddreg [dreg:$0x5];
	[tilespmem:$0x1E0] =	vst v3;
	v2 =	vnsel vm15, $0x0, v2  }
0x73: {  	s20 =	rddreg [dreg:$0x8];
	[tilespmem:$0x1F0] =	vst v2  }
0x74: {  	[tilespmem:s11], [sflag:$0x1] =	stream.indirect.gather [hbm4b:s4+s10], $0x40, s2, s10, $0xb8;
	[tilespmem:$0x8210] =	vst v63  }
0x75: {  	s29 =	rddreg [dreg:$0x4]  }
0x76: {  	[tilespmem:s29], [sflag:$0x1] =	stream.indirect.gather [hbm4b:s4+s10], $0x40, s10, s10, $0xb8;
	[tilespmem:$0x8210] =	vst v63  }
0x77: {  	s31 =	rddreg [dreg:$0x6]  }
0x78: {  	[tilespmem:s30], [sflag:$0x1] =	stream.indirect.gather [hbm4b:s4+s10], $0x40, s31, s10, $0xb8;
	[tilespmem:$0x8210] =	vst v63  }
0x79: {  	s19 =	rddreg [dreg:$0x7]  }
0x7a: {  	[tilespmem:s19], [sflag:$0x1] =	stream.indirect.gather [hbm4b:s4+s10], $0x40, s20, s10, $0xb8;
	[tilespmem:$0x8210] =	vst v63  }
0x7b: {  	_ =	swait.ge [sflag:s12], $0x2000  }
0x7c: {  	[sflag:s12] =	ssyncset.done $0x0  }
0x7d: {  	[sflag:s12] =	ssyncadd.s32 $0xFFFFE000  }
0x7e: {  	_ =	swait.ge [sflag:s12], $0x2000  }
0x7f: {  	[sflag:s12] =	ssyncset.done $0x0  }
0x80: {  	[sflag:s12] =	ssyncadd.s32 $0xFFFFE000  }
0x81: {  	_ =	swait.ge [sflag:s12], $0x2000  }
0x82: {  	[sflag:s12] =	ssyncset.done $0x0  }
0x83: {  	[sflag:s12] =	ssyncadd.s32 $0xFFFFE000  }
0x84: {  	_ =	swait.ge [sflag:s12], $0x2000  }
0x85: {  	p0 =	sne.s32 s16, $0x6200;
	[sflag:s12] =	ssyncset.done $0x0  }
.Ltmp0:
0x86: {  	[sflag:s12] =	ssyncadd.s32 $0xFFFFE000;
	(pc) =	sbr.rel @p0 .LBB2_2-.Ltmp0, $4  }
0x87: {  	[hbm4b:s14+s2] =	stream.linear.scatter [tilespmem:s11], [sflag:$0x2], $0x8000, $0x38;
	[tilespmem:$0x8210] =	vst v63  }
0x88: {  	_ =	swait.ge [sflag:s9], $0x8000  }
0x89: {  	s15 =	sadd.s32 $0x40, s15;
	[sflag:s9] =	ssyncset.done $0x0  }
0x8a: {  	s16 =	sadd.s32 $0x200, s16;
	s14 =	sadd.s32 $0x1000, s14;
	[sflag:s9] =	ssyncadd.s32 $0xFFFF8000  }
0x8b: {  	s13 =	sadd.s32 $0x1, s13  }
0x8c: {  	p0 =	sne.s32 s13, s5  }
.Ltmp1:
0x8d: {  	_ = 	snop;
	(pc) =	sbr.rel @p0 .LBB2_1-.Ltmp1, $1  }
0x8e: {  	_ =	sdelay $0x3  }
0x8f: {  	_ =	sfence.sel $0x180000  }
0x90: {  	[bflag:$0x0] =	sbarrier.arrive $0xFFFF  }
0x91: {  	p0 =	sne.s32 s1, $0x0;
	_ =	strace $0x90000047  }
0x92: {  	s0 =	sadd.s32 @!p0 $0x100000, s0;
	[bflag:$0x2] =	sbarrier.arrive $0xFFFF  }
0x93: {  	[sflag:s0] =	ssyncadd.tile.s32 @!p0 $0x1;
	_ =	shalt  }
.Lfunc_end2:
_tile_overlayer_lowered:
.L_overlay_start_2:
0x94: {  	(tag) =	ssettag $0x2  }
0x95: {  	s0 =	rddreg [dreg:$0x0];
	s2 =	stileid.u32  }
0x96: {  	s1 =	rddreg [dreg:$0x1];
	p0 =	sne.s32 s2, $0x0  }
0x97: {  	s3 =	rddreg [dreg:$0x2];
	[bflag:$0x3] =	sbarrier.arrive $0xFFFF;
	s2 =	simm.s32 @!p0 $0x1C02  }
0x98: {  	[timem:s3], [sflag:s2] =	dma.local @!p0 [hbm:s0], s1  }
0x99: {  	s0 =	simm.s32 @!p0 $0x2  }
0x9a: {  	_ =	swait.ge @!p0 [sflag:s0], s1  }
0x9b: {  	s1 =	ssub.s32 @!p0 $0x0, s1;
	[sflag:s0] =	ssyncset.done @!p0 $0x0  }
0x9c: {  	[sflag:s0] =	ssyncadd.s32 @!p0 s1  }
0x9d: {  	[bflag:$0x3] =	sbarrier.arrive $0xFFFF  }
0x9e: {  	_ =	shalt  }

// kernel: sparse-core-data-format-call.cloned.1.call-start
scs
called_computation_lowered:
.L_overlay_start_0:
0x0: {  	s2 =	sld [smem:$0x3FD9]  }
0x1: {  	s3 =	sld [smem:$0x3FFE];
	_ =	sdelay $0x1  }
0x2: {  	s1 =	srdreg.scid  }
0x3: {  	s0 =	sand.u32 $0x1, s1  }
0x4: {  	s18 =	sshll.u32 s0, $0xA;
	s2 =	sadd.s32 s3, s2  }
0x5: {  	s2 =	sadd.s32 s2, s18  }
0x6: {  	[smem:$0x3FC5] =	sst s2  }
0x7: {  	_ = 	snop  }
0x8: {  	s2 =	sld [smem:$0x3FD0];
	(tm) =	ssettm $0x1  }
0x9: {  	s19 =	sld [smem:$0x3FFB];
	_ =	sdelay $0x3  }
0xa: {  	_ =	strace s19  }
0xb: {  	s3 =	sld [smem:$0x3FFC];
	_ =	sdelay $0x3  }
0xc: {  	_ =	strace s3  }
0xd: {  	s3 =	sld [smem:$0x3FFD];
	_ =	sdelay $0x3  }
0xe: {  	_ =	strace s3  }
0xf: {  	_ =	strace $0x8FFFFFFF  }
0x10: {  	s20 =	sld [smem:$0x3FDB];
	_ =	sdelay $0x1  }
0x11: {  	s4 =	simm.s32 $_scs_section_size  }
0x12: {  	s5 =	simm.s32 $_size__tile_overlayer_lowered;
	s6 =	simm.s32 $_tile_overlayer_lowered  }
0x13: {  	s23 =	simm.s32 $0x1BFF;
	s22 =	sshll.u32 s6, $0x1;
	s3 =	sadd.s32 s4, s20  }
0x14: {  	s7 =	simm.s32 $0x0;
	s21 =	sshll.u32 s5, $0x1;
	s5 =	sadd.s32 s22, s3  }
0x15: {  	[timem:s7], [sflag:s23] =	dma.local [hbm:s5], s21  }
0x16: {  	_ =	swait.ge [sflag:s23], s21  }
0x17: {  	s4 =	ssub.s32 $0x0, s21;
	[sflag:s23] =	ssyncset.done $0x0  }
0x18: {  	[sflag:s23] =	ssyncadd.s32 s4;
	_ =	sdelay $0x1  }
0x19: {  	s24 =	simm.s32 $0x1B8B  }
0x1a: {  	_ =	swait.ge [sflag:s24], $0x1  }
0x1b: {  	[sflag:s24] =	ssyncset.done $0x0  }
0x1c: {  	s26 =	simm.s32 $0x1B8E;
	s25 =	sld [smem:$0x3FFE];
	[sflag:s24] =	ssyncadd.s32 $0xFFFFFFFF  }
0x1d: {  	s27 =	simm.s32 $execute0_lowered;
	[smem:$0x3FD2] =	sst s26  }
0x1e: {  	s5 =	sshll.u32 s27, $0x1;
	_ =	strace $0x80000049;
	[dreg:$0x1] =	wrdreg $0xFFFFFFFF  }
0x1f: {  	s28 =	simm.s32 $_size_execute0_lowered;
	s3 =	sadd.s32 s3, s5;
	[dreg:$0x0] =	wrdreg $0x0  }
0x20: {  	s5 =	sshll.u32 s28, $0x1;
	[dreg:$0x2] =	wrdreg s3  }
0x21: {  	[dreg:$0x3] =	wrdreg s5  }
0x22: {  	[dreg:$0x4] =	wrdreg $0xC0  }
0x23: {  	_ =	task [dreg:s7], $0x5FFFF  }
0x24: {  	[dreg:$0x1] =	wrdreg $0xFFFFFFFF  }
0x25: {  	[dreg:$0x0] =	wrdreg $0x60  }
0x26: {  	[dreg:$0x2] =	wrdreg s25  }
0x27: {  	[dreg:$0x3] =	wrdreg s2  }
0x28: {  	[dreg:$0x4] =	wrdreg $0x9  }
0x29: {  	_ =	task.clear_ibuf [dreg:s7], $0x5FFFF;
	_ =	strace $0x90000049  }
0x2a: {  	s29 =	simm.s32 $0x9;
	_ =	strace $0x8000004B  }
0x2b: {  	_ =	swait.ge [sflag:s29], $0x1  }
0x2c: {  	[sflag:s29] =	ssyncadd.s32 $0xFFFFFFFF  }
0x2d: {  	_ =	strace $0x9000004B  }
0x2e: {  	_ =	sfence  }
0x2f: {  	s30 =	sld [smem:$0x0];
	_ =	sdelay $0x2  }
0x30: {  	s31 =	sshll.u32 s1, $0xD;
	s1 =	sshrl.u32 s1, $0x2  }
0x31: {  	s3 =	sand.u32 $0x4000, s31;
	s1 =	sadd.s32 s1, s30  }
0x32: {  	s0 =	sor.u32 s3, s0;
	s1 =	sshll.u32 s1, $0x11  }
0x33: {  	s0 =	sor.u32 s1, s0  }
0x34: {  	s0 =	sadd.s32 $0x8F2B, s0  }
0x35: {  	[sflag:s0] =	ssyncadd.remote.s32 $0x1  }
0x36: {  	_ =	sfence.sel $0xFFFF  }
0x37: {  	[dreg:$0x0] =	wrdreg $0xFFFFFFFF;
	(pc) =	sbr.abs _section_cstart, $3  }
0x38: {  	[dreg:$0x1] =	wrdreg $0xFFFFFFFF  }
0x39: {  	_ =	task.clear_ibuf [dreg:s7], $0x2FFFF;
	_ =	strace $0x9FFFFFFF  }
0x3a: {  	(tm) =	ssettm $0x7FFFFFFF  }
0x3b: {  	_ =	shalt  }
tec
execute0_lowered:
.L_overlay_start_1:
0x0: {  	(tag) =	ssettag $0x1  }
0x1: {  	s0 =	srdreg.scid  }
0x2: {  	s1 =	sshll.u32 s0, $0x4  }
0x3: {  	s0 =	stileid.u32;
	s1 =	sand.u32 $0x10, s1  }
0x4: {  	s1 =	sor.u32 s0, s1  }
0x5: {  	s6 =	rddreg [dreg:$0x0];
	s4 =	simm.s32 $0x1;
	s2 =	sshll.u32 s1, $0x7  }
0x6: {  	s7 =	simm.s32 $0x2;
	s12 =	simm.s32 $0x0;
	s1 =	ssub.s32 $0x1000, s2  }
0x7: {  	s8 =	simm.s32 $0x8000;
	s13 =	simm.s32 $0x0;
	s3 =	sand.u32 $0xF80, s1  }
0x8: {  	s9 =	simm.s32 $0x0;
	s5 =	sshrl.u32 s1, $0xC;
	p0 =	sne.s32 s3, $0x0  }
.Ltmp0:
0x9: {  	s1 =	rddreg [dreg:$0x2];
	s4 =	simm.s32 @!p0 $0x0;
	(pc) =	sbr.rel .LBB1_1-.Ltmp0, $4  }
0xa: {  	s11 =	simm.s32 $0x0;
	s3 =	rddreg [dreg:$0x1];
	s5 =	sadd.s32 s4, s5  }
0xb: {  	_ =	strace $0x8000004A;
	s4 =	simm.s32 $0x1;
	s5 =	smul.u32 $0xC8, s5  }
0xc: {  	s6 =	sadd.s32 $0xA00, s6;
	s10 =	smov.u32 s2;
	[sflag:s4] =	ssyncpa.u1 $0x0  }
0xd: {  	p0 =	por $0x0, $0x0;
	[sflag:s7] =	ssyncpa.u1 $0x0;
	s7 =	sor.u32 $0x1, s5  }
.LBB1_4:
0xe: {  	s16 =	sshll.u32 s13, $0x3;
	s17 =	sand.u32 $0x78, s13  }
0xf: {  	s30 =	sand.u32 $0x7E00, s13;
	s12 =	sshll.u32 s12, $0xF;
	s16 =	sand.u32 $0xC00, s16  }
0x10: {  	[tilespmem:s15+$0x810 ss:$0x81] =	vst.msk $0xffff, v2;
	s31 =	sand.u32 $0x7, s13;
	s16 =	sor.u32 s17, s16;
	s17 =	sadd.s32 s3, s30  }
0x11: {  	[tilespmem:s15+$0x1020 ss:$0x81] =	vst.msk $0xffff, v0;
	s13 =	sshll.u32 s31, $0x12;
	s12 =	sadd.s32 s12, s17;
	s16 =	sshrl.u32 s16, $0x3  }
0x12: {  	[tilespmem:s15+$0x0 ss:$0x81] =	vst.msk $0xffff, v1;
	s13 =	sor.u32 $0x400, s13;
	s12 =	sadd.s32 s16, s12  }
0x13: {  	[hbm4b:s12+s13] =	stream.strided.scatter [tilespmem:s14], [sflag:$0x2], $0x2000, s8, s13, $0x20;
	[tilespmem:$0x8080] =	vst v63  }
.LBB1_5:
0x14: {  	s14 =	sadd.s32 $0x1, s9  }
0x15: {  	s12 =	sadd.s32 $0x1000, s10;
	s16 =	smov.u32 s10;
	p2 =	sgt.s32 s14, $0xC7  }
0x16: {  	s16 =	smov.u32 @p2 s12  }
0x17: {  	s14 =	simm.s32 @p2 $0x0;
	p2 =	sgt.s32 s16, $0xFFF  }
0x18: {  	s16 =	smov.u32 @p2 s2;
	p2 =	sne.s32 s11, s7  }
.Ltmp1:
0x19: {  	p1 =	slt.u32 s11, $0x2;
	(pc) =	sbr.rel @!p2 .LBB1_6-.Ltmp1, $4  }
0x1a: {  	s15 =	simm.s32 @!p1 $0x2  }
0x1b: {  	s13 =	smov.u32 s10;
	p0 =	por !p0, !p0;
	_ =	swait.ge @!p1 [sflag:s15], $0x2000  }
0x1c: {  	s12 =	smov.u32 s9;
	[sflag:s15] =	ssyncset.done @!p1 $0x0;
	s9 =	smov.u32 s14  }
0x1d: {  	s11 =	sadd.s32 $0x1, s11;
	[sflag:s15] =	ssyncadd.s32 @!p1 $0xFFFFE000;
	s10 =	smov.u32 s16  }
.LBB1_1:
0x1e: {  	p1 =	sge.u32 s11, s5  }
0x1f: {  	s14 =	sand.u32 @!p1 $0x1FFFFFF, s9  }
0x20: {  	s15 =	smulhi.u32 @!p1 $0x147AE15, s14;
	_ =	sdelay $0x1  }
0x21: {  	s15 =	smul.u32 @!p1 $0xC8, s15  }
0x22: {  	s16 =	sxor.u32 @!p1 $0xFFFFFFFF, s11;
	s17 =	smul.u32 @!p1 $0xC80, s10  }
0x23: {  	s31 =	sadd.s32 $0xFFFFFFFF, s11;
	s16 =	sshll.u32 @!p1 s16, $0xD;
	s14 =	ssub.s32 @!p1 s14, s15  }
0x24: {  	s15 =	sand.u32 @!p1 $0x2000, s16;
	s16 =	sadd.s32 @!p1 s6, s17;
	s14 =	sshll.u32 @!p1 s14, $0x4  }
0x25: {  	s17 =	simm.s32 @!p1 $0x6400;
	s14 =	sadd.s32 @!p1 s14, s16;
	s16 =	simm.s32 @!p1 $0x40  }
0x26: {  	[tilespmem:s15], [sflag:$0x1] =	stream.strided.gather @!p1 [hbm4b:s14+s16], $0x2000, s17, s16, $0x38;
	[tilespmem:$0x8080] =	vst v63  }
0x27: {  	p1 =	sge.u32 s31, s5  }
.Ltmp2:
0x28: {  	_ = 	snop;
	(pc) =	sbr.rel @p1 .LBB1_5-.Ltmp2, $1  }
0x29: {  	_ =	sdelay $0x3  }
0x2a: {  	s14 =	simm.s32 $0x1  }
0x2b: {  	_ =	swait.ge [sflag:s4], $0x2000;
	s14 =	simm.s32 @!p0 $0x0  }
0x2c: {  	[sflag:s4] =	ssyncset.done $0x0;
	s15 =	sshll.u32 s14, $0xD  }
0x2d: {  	[sflag:s4] =	ssyncadd.s32 $0xFFFFE000;
	s18 =	sor.u32 $0x20, s15  }
0x2e: {  	s14 =	smul.u32 $0x8100, s14;
	v3 =	vld [tilespmem:s18+$0x10]  }
0x2f: {  	s30 =	sand.u32 $0x1, s11;
	v2 =	vld [tilespmem:s18+$0xFFFFFFF0]  }
0x30: {  	s15 =	smul.u32 $0x8100, s30;
	s14 =	sshrl.u32 s14, $0x2;
	v0 =	vld [tilespmem:s18+$0x0]  }
0x31: {  	v1 =	vld [tilespmem:s18+$0xFFFFFFE0];
	s16 =	sor.u32 $0x4000, s14  }
0x32: {  	s31 =	sshrl.u32 s15, $0x2;
	s15 =	sadd.s32 $0x0, s16  }
0x33: {  	s17 =	simm.s32 $0x4;
	s18 =	sadd.s32 $0x40, s18;
	s14 =	sor.u32 $0x4000, s31;
	[tilespmem:s15+$0x1830 ss:$0x81] =	vst.msk $0xffff, v3  }
.LBB1_3:
0x34: {  	v3 =	vld [tilespmem:s18+$0x10];
	p1 =	sne.s32 s17, $0x1FC;
	[tilespmem:s15+$0x810 ss:$0x81] =	vst.msk $0xffff, v2;
	s19 =	smov.u32 s17;
	s17 =	sadd.s32 $0x4, s17  }
.Ltmp3:
0x35: {  	v2 =	vld [tilespmem:s18+$0xFFFFFFF0];
	[tilespmem:s15+$0x1020 ss:$0x81] =	vst.msk $0xffff, v0;
	(pc) =	sbr.rel @p1 .LBB1_3-.Ltmp3, $4  }
0x36: {  	v0 =	vld [tilespmem:s18+$0x0];
	[tilespmem:s15+$0x0 ss:$0x81] =	vst.msk $0xffff, v1  }
0x37: {  	s15 =	sshra.s32 s19, $0x2;
	v1 =	vld [tilespmem:s18+$0xFFFFFFE0]  }
0x38: {  	s15 =	sadd.s32 s15, s16  }
0x39: {  	s18 =	sadd.s32 $0x40, s18;
	[tilespmem:s15+$0x1830 ss:$0x81] =	vst.msk $0xffff, v3  }
.Ltmp4:
0x3a: {  	_ = 	snop;
	(pc) =	sbr.rel .LBB1_4-.Ltmp4, $1  }
0x3b: {  	_ =	sdelay $0x3  }
.LBB1_6:
0x3c: {  	_ =	sfence.sel $0x180000  }
0x3d: {  	s2 =	simm.s32 $0x1;
	[bflag:$0x0] =	sbarrier.arrive $0xFFFF  }
0x3e: {  	s31 =	simm.s32 $0x2;
	[sflag:s2] =	ssyncpa.u1 $0x1  }
0x3f: {  	[sflag:s31] =	ssyncpa.u1 $0x1  }
0x40: {  	p0 =	sne.s32 s0, $0x0;
	_ =	strace $0x9000004A  }
0x41: {  	s0 =	sadd.s32 @!p0 $0x100000, s1;
	[bflag:$0x2] =	sbarrier.arrive $0xFFFF  }
0x42: {  	[sflag:s0] =	ssyncadd.tile.s32 @!p0 $0x1;
	_ =	shalt  }
.Lfunc_end1:
_tile_overlayer_lowered:
.L_overlay_start_2:
0x43: {  	(tag) =	ssettag $0x2  }
0x44: {  	s0 =	rddreg [dreg:$0x0];
	s2 =	stileid.u32  }
0x45: {  	s1 =	rddreg [dreg:$0x1];
	p0 =	sne.s32 s2, $0x0  }
0x46: {  	s3 =	rddreg [dreg:$0x2];
	[bflag:$0x3] =	sbarrier.arrive $0xFFFF;
	s2 =	simm.s32 @!p0 $0x1C01  }
0x47: {  	[timem:s3], [sflag:s2] =	dma.local @!p0 [hbm:s0], s1  }
0x48: {  	s0 =	simm.s32 @!p0 $0x1  }
0x49: {  	_ =	swait.ge @!p0 [sflag:s0], s1  }
0x4a: {  	s1 =	ssub.s32 @!p0 $0x0, s1;
	[sflag:s0] =	ssyncset.done @!p0 $0x0  }
0x4b: {  	[sflag:s0] =	ssyncadd.s32 @!p0 s1  }
0x4c: {  	[bflag:$0x3] =	sbarrier.arrive $0xFFFF  }
0x4d: {  	_ =	shalt  }

</sc_bundles>
